<compile_context>
chip_gen: v7x
topology: tpu7x:2x2x1
jax: 0.10.2.dev20260603
libtpu: 0.0.44.dev20260713+nightly
codegen_flags: <defaults>
</compile_context>

<pallas_src>
import functools

import jax
import jax.numpy as jnp
from jax import lax
from jax.experimental import pallas as pl
from jax.experimental.pallas import tpu as pltpu
from jax.experimental.pallas import tpu_sc as plsc


@functools.lru_cache(maxsize=None)
def _make_gather(B, D, CH, NBUF):
    info = plsc.get_sparse_core_info()
    NC, NS = info.num_cores, info.num_subcores
    NW = NC * NS
    assert B % NW == 0
    b_per_w = B // NW
    assert b_per_w % (CH * NBUF) == 0
    n_grp = b_per_w // (CH * NBUF)
    mesh = plsc.VectorSubcoreMesh(core_axis_name="c", subcore_axis_name="s")

    @functools.partial(
        pl.kernel,
        mesh=mesh,
        out_type=jax.ShapeDtypeStruct((B, D), jnp.float32),
        scratch_types=[
            pltpu.VMEM((b_per_w,), jnp.int32),
            pltpu.VMEM((NBUF, CH, D), jnp.float32),
            pltpu.SemaphoreType.DMA((NBUF,)),
            pltpu.SemaphoreType.DMA((NBUF,)),
        ],
        compiler_params=pltpu.CompilerParams(use_tc_tiling_on_sc=False),
    )
    def k(idx_hbm, table_hbm, out_hbm, idx_v, rows_v, sem_g, sem_s):
        wid = lax.axis_index("s") * NC + lax.axis_index("c")
        base = wid * b_per_w
        pltpu.sync_copy(idx_hbm.at[pl.ds(base, b_per_w)], idx_v)

        def issue_gather(i, b):
            pltpu.async_copy(
                table_hbm.at[idx_v.at[pl.ds(i * CH, CH)]],
                rows_v.at[b],
                sem_g.at[b],
            )

        def wait_gather(b):
            pltpu.make_async_copy(
                table_hbm.at[pl.ds(0, CH)], rows_v.at[b], sem_g.at[b]
            ).wait()

        def issue_store(i, b):
            pltpu.async_copy(
                rows_v.at[b], out_hbm.at[pl.ds(base + i * CH, CH)], sem_s.at[b]
            )

        def wait_store(b):
            pltpu.make_async_copy(
                rows_v.at[b], out_hbm.at[pl.ds(base, CH)], sem_s.at[b]
            ).wait()

        for b in range(NBUF):
            issue_gather(b, b)

        def body(g, carry):
            for b in range(NBUF):
                i = g * NBUF + b
                wait_gather(b)
                issue_store(i, b)

                @pl.when(g < n_grp - 1)
                def _():
                    wait_store(b)
                    issue_gather(i + NBUF, b)

            return carry

        lax.fori_loop(0, n_grp, body, 0)

        for b in range(NBUF):
            wait_store(b)

    return k


def kernel(input_seq, u, item_emb, user_emb, pos_emb):
    Bt, L = input_seq.shape
    V, D = item_emb.shape
    idx = input_seq.reshape(-1).astype(jnp.int32)
    out = _make_gather(Bt * L, D, 512, 5)(idx, item_emb)
    return out.reshape(Bt, L, D)

# --- scband reference (transcript-rebuilt; emitter-appended) ---
"""Pipeline reference for scband-sasrec-35210141893029 (READ-ONLY COPY).

The authoritative reference and input builder live on the scoring server;
editing this copy changes nothing except your own understanding.
"""

import jax, jax.numpy as jnp
import numpy as np

ITEMNUM = 1000000
USERNUM = 100000
HIDDEN = 32
MAXLEN = 200
BATCH = 4096

def setup_inputs(seed: int = 0) -> dict:
    key = jax.random.key(seed)
    k1, k2, k3, k4, k5 = jax.random.split(key, 5)
    input_seq = jax.random.randint(k1, (BATCH, MAXLEN), 0, ITEMNUM)
    u = jax.random.randint(k2, (BATCH,), 0, USERNUM)
    # learned parameters sized per init_kwargs
    item_emb = jax.random.normal(k3, (ITEMNUM + 1, HIDDEN), dtype=jnp.float32) * 0.02
    user_emb = jax.random.normal(k4, (USERNUM + 1, HIDDEN), dtype=jnp.float32) * 0.02
    pos_emb = jax.random.normal(k5, (MAXLEN, HIDDEN * 2), dtype=jnp.float32) * 0.02
    return {"input_seq": input_seq, "u": u, "item_emb": item_emb, "user_emb": user_emb, "pos_emb": pos_emb}

def reference(input_seq, u, item_emb, user_emb, pos_emb):
    # Faithful to the module's forward up to the point it runs:
    # seq = self.item_embedding(input_seq)  -> gather from item table
    seq = jnp.take(item_emb, input_seq, axis=0)
    # positions = arange(L) expanded to (B, L) (computed but unused downstream in the original)
    positions = jnp.broadcast_to(jnp.arange(input_seq.shape[1])[None, :], input_seq.shape)
    _ = positions
    return seq

if __name__ == "__main__":
    import jax
    _d = setup_inputs()
    print(jax.jit(kernel)(*tuple(_d.values())))

</pallas_src>

<mosaic_0001>
#map = affine_map<(d0, d1) -> (0)>
#map1 = affine_map<(d0, d1) -> (0, 0)>
module attributes {stable_mosaic.version = 14 : i64} {
  func.func @k(%arg0: i32, %arg1: i32, %arg2: memref<819200xi32, #tpu.memory_space<hbm>>, %arg3: memref<1000001x32xf32, #tpu.memory_space<hbm>>, %arg4: memref<819200x32xf32, #tpu.memory_space<hbm>>, %arg5: memref<25600xi32, #tpu.memory_space<vmem>>, %arg6: memref<5x512x32xf32, #tpu.memory_space<vmem>>, %arg7: memref<5x!tpu.dma_semaphore, #tpu.memory_space<semaphore_mem>>, %arg8: memref<5x!tpu.dma_semaphore, #tpu.memory_space<semaphore_mem>>) attributes {dimension_semantics = [#tpu.dimension_semantics<core_parallel>, #tpu.dimension_semantics<subcore_parallel>], iteration_bounds = array<i64: 2, 16>, scalar_prefetch = 0 : i64, scratch_operands = 4 : i64, tpu.core_type = #tpu.core_type<sc_vector_subcore>, window_params = [{transform_indices = #map}, {transform_indices = #map1}, {transform_indices = #map1}]} {
    %mul3A = arith.constant 2 : i32
    %mul3A_0 = arith.muli %arg1, %mul3A : i32
    %add3A = arith.addi %mul3A_0, %arg0 : i32
    %mul3A_1 = arith.constant 25600 : i32
    %mul3A_2 = arith.muli %add3A, %mul3A_1 : i32
    "tpu.region"() ({
      %run_scoped3A = tpu.sem_alloc : memref<!tpu.dma_semaphore, #tpu.memory_space<semaphore_mem>>
      %dma_start3A_151 = tpu.memref_slice %arg2[%mul3A_2] : memref<819200xi32, #tpu.memory_space<hbm>> -> memref<25600xi32, #tpu.memory_space<hbm>>
      %dma_start3A_152 = tpu.memref_slice %arg2[%mul3A_2] : memref<819200xi32, #tpu.memory_space<hbm>> -> memref<25600xi32, #tpu.memory_space<hbm>>
      tpu.enqueue_dma source(%dma_start3A_152 : memref<25600xi32, #tpu.memory_space<hbm>>) target(%arg5 : memref<25600xi32, #tpu.memory_space<vmem>>) target_semaphore(%run_scoped3A : memref<!tpu.dma_semaphore, #tpu.memory_space<semaphore_mem>>)
      %dma_wait3A_153 = tpu.memref_slice %arg2[%mul3A_2] : memref<819200xi32, #tpu.memory_space<hbm>> -> memref<25600xi32, #tpu.memory_space<hbm>>
      %dma_wait3A_154 = tpu.memref_slice %arg2[%mul3A_2] : memref<819200xi32, #tpu.memory_space<hbm>> -> memref<25600xi32, #tpu.memory_space<hbm>>
      tpu.wait_dma2 semaphore(%run_scoped3A : memref<!tpu.dma_semaphore, #tpu.memory_space<semaphore_mem>>) src(%dma_wait3A_154 : memref<25600xi32, #tpu.memory_space<hbm>>) dst(%arg5 : memref<25600xi32, #tpu.memory_space<vmem>>)
      tpu.yield
    }) : () -> ()
    %dma_start3A = arith.constant 0 : i32
    %dma_start3A_3 = arith.constant 0 : i32
    %dma_start3A_4 = arith.constant 0 : i32
    %dma_start3A_5 = arith.constant 0 : i32
    %dma_start3A_6 = tpu.memref_slice %arg6[%dma_start3A, %dma_start3A_4, %dma_start3A_5] : memref<5x512x32xf32, #tpu.memory_space<vmem>> -> memref<1x512x32xf32, #tpu.memory_space<vmem>>
    %dma_start3A_7 = tpu.memref_squeeze %dma_start3A_6 : memref<1x512x32xf32, #tpu.memory_space<vmem>> -> memref<512x32xf32, #tpu.memory_space<vmem>>
    %dma_start3A_8 = arith.constant 0 : i32
    %dma_start3A_9 = tpu.memref_slice %arg5[%dma_start3A_8] : memref<25600xi32, #tpu.memory_space<vmem>> -> memref<512xi32, #tpu.memory_space<vmem>>
    %dma_start3A_10 = arith.constant 0 : i32
    %dma_start3A_11 = arith.constant 0 : i32
    %dma_start3A_12 = tpu.memref_slice %arg3[%dma_start3A_10, %dma_start3A_11] : memref<1000001x32xf32, #tpu.memory_space<hbm>> -> memref<1000001x32xf32, #tpu.memory_space<hbm>>
    %dma_start3A_13 = tpu.memref_slice %arg7[%dma_start3A_3] : memref<5x!tpu.dma_semaphore, #tpu.memory_space<semaphore_mem>> -> memref<1x!tpu.dma_semaphore, #tpu.memory_space<semaphore_mem>>
    %dma_start3A_14 = tpu.memref_squeeze %dma_start3A_13 : memref<1x!tpu.dma_semaphore, #tpu.memory_space<semaphore_mem>> -> memref<!tpu.dma_semaphore, #tpu.memory_space<semaphore_mem>>
    tpu.enqueue_indirect_dma source(%dma_start3A_12 : memref<1000001x32xf32, #tpu.memory_space<hbm>>) target(%dma_start3A_7 : memref<512x32xf32, #tpu.memory_space<vmem>>) offsets(%dma_start3A_9 : memref<512xi32, #tpu.memory_space<vmem>>) semaphore(%dma_start3A_14 : memref<!tpu.dma_semaphore, #tpu.memory_space<semaphore_mem>>)
    %dma_start3A_15 = arith.constant 1 : i32
    %dma_start3A_16 = arith.constant 1 : i32
    %dma_start3A_17 = arith.constant 0 : i32
    %dma_start3A_18 = arith.constant 0 : i32
    %dma_start3A_19 = tpu.memref_slice %arg6[%dma_start3A_15, %dma_start3A_17, %dma_start3A_18] : memref<5x512x32xf32, #tpu.memory_space<vmem>> -> memref<1x512x32xf32, #tpu.memory_space<vmem>>
    %dma_start3A_20 = tpu.memref_squeeze %dma_start3A_19 : memref<1x512x32xf32, #tpu.memory_space<vmem>> -> memref<512x32xf32, #tpu.memory_space<vmem>>
    %dma_start3A_21 = arith.constant 512 : i32
    %dma_start3A_22 = tpu.memref_slice %arg5[%dma_start3A_21] : memref<25600xi32, #tpu.memory_space<vmem>> -> memref<512xi32, #tpu.memory_space<vmem>>
    %dma_start3A_23 = arith.constant 0 : i32
    %dma_start3A_24 = arith.constant 0 : i32
    %dma_start3A_25 = tpu.memref_slice %arg3[%dma_start3A_23, %dma_start3A_24] : memref<1000001x32xf32, #tpu.memory_space<hbm>> -> memref<1000001x32xf32, #tpu.memory_space<hbm>>
    %dma_start3A_26 = tpu.memref_slice %arg7[%dma_start3A_16] : memref<5x!tpu.dma_semaphore, #tpu.memory_space<semaphore_mem>> -> memref<1x!tpu.dma_semaphore, #tpu.memory_space<semaphore_mem>>
    %dma_start3A_27 = tpu.memref_squeeze %dma_start3A_26 : memref<1x!tpu.dma_semaphore, #tpu.memory_space<semaphore_mem>> -> memref<!tpu.dma_semaphore, #tpu.memory_space<semaphore_mem>>
    tpu.enqueue_indirect_dma source(%dma_start3A_25 : memref<1000001x32xf32, #tpu.memory_space<hbm>>) target(%dma_start3A_20 : memref<512x32xf32, #tpu.memory_space<vmem>>) offsets(%dma_start3A_22 : memref<512xi32, #tpu.memory_space<vmem>>) semaphore(%dma_start3A_27 : memref<!tpu.dma_semaphore, #tpu.memory_space<semaphore_mem>>)
    %dma_start3A_28 = arith.constant 2 : i32
    %dma_start3A_29 = arith.constant 2 : i32
    %dma_start3A_30 = arith.constant 0 : i32
    %dma_start3A_31 = arith.constant 0 : i32
    %dma_start3A_32 = tpu.memref_slice %arg6[%dma_start3A_28, %dma_start3A_30, %dma_start3A_31] : memref<5x512x32xf32, #tpu.memory_space<vmem>> -> memref<1x512x32xf32, #tpu.memory_space<vmem>>
    %dma_start3A_33 = tpu.memref_squeeze %dma_start3A_32 : memref<1x512x32xf32, #tpu.memory_space<vmem>> -> memref<512x32xf32, #tpu.memory_space<vmem>>
    %dma_start3A_34 = arith.constant 1024 : i32
    %dma_start3A_35 = tpu.memref_slice %arg5[%dma_start3A_34] : memref<25600xi32, #tpu.memory_space<vmem>> -> memref<512xi32, #tpu.memory_space<vmem>>
    %dma_start3A_36 = arith.constant 0 : i32
    %dma_start3A_37 = arith.constant 0 : i32
    %dma_start3A_38 = tpu.memref_slice %arg3[%dma_start3A_36, %dma_start3A_37] : memref<1000001x32xf32, #tpu.memory_space<hbm>> -> memref<1000001x32xf32, #tpu.memory_space<hbm>>
    %dma_start3A_39 = tpu.memref_slice %arg7[%dma_start3A_29] : memref<5x!tpu.dma_semaphore, #tpu.memory_space<semaphore_mem>> -> memref<1x!tpu.dma_semaphore, #tpu.memory_space<semaphore_mem>>
    %dma_start3A_40 = tpu.memref_squeeze %dma_start3A_39 : memref<1x!tpu.dma_semaphore, #tpu.memory_space<semaphore_mem>> -> memref<!tpu.dma_semaphore, #tpu.memory_space<semaphore_mem>>
    tpu.enqueue_indirect_dma source(%dma_start3A_38 : memref<1000001x32xf32, #tpu.memory_space<hbm>>) target(%dma_start3A_33 : memref<512x32xf32, #tpu.memory_space<vmem>>) offsets(%dma_start3A_35 : memref<512xi32, #tpu.memory_space<vmem>>) semaphore(%dma_start3A_40 : memref<!tpu.dma_semaphore, #tpu.memory_space<semaphore_mem>>)
    %dma_start3A_41 = arith.constant 3 : i32
    %dma_start3A_42 = arith.constant 3 : i32
    %dma_start3A_43 = arith.constant 0 : i32
    %dma_start3A_44 = arith.constant 0 : i32
    %dma_start3A_45 = tpu.memref_slice %arg6[%dma_start3A_41, %dma_start3A_43, %dma_start3A_44] : memref<5x512x32xf32, #tpu.memory_space<vmem>> -> memref<1x512x32xf32, #tpu.memory_space<vmem>>
    %dma_start3A_46 = tpu.memref_squeeze %dma_start3A_45 : memref<1x512x32xf32, #tpu.memory_space<vmem>> -> memref<512x32xf32, #tpu.memory_space<vmem>>
    %dma_start3A_47 = arith.constant 1536 : i32
    %dma_start3A_48 = tpu.memref_slice %arg5[%dma_start3A_47] : memref<25600xi32, #tpu.memory_space<vmem>> -> memref<512xi32, #tpu.memory_space<vmem>>
    %dma_start3A_49 = arith.constant 0 : i32
    %dma_start3A_50 = arith.constant 0 : i32
    %dma_start3A_51 = tpu.memref_slice %arg3[%dma_start3A_49, %dma_start3A_50] : memref<1000001x32xf32, #tpu.memory_space<hbm>> -> memref<1000001x32xf32, #tpu.memory_space<hbm>>
    %dma_start3A_52 = tpu.memref_slice %arg7[%dma_start3A_42] : memref<5x!tpu.dma_semaphore, #tpu.memory_space<semaphore_mem>> -> memref<1x!tpu.dma_semaphore, #tpu.memory_space<semaphore_mem>>
    %dma_start3A_53 = tpu.memref_squeeze %dma_start3A_52 : memref<1x!tpu.dma_semaphore, #tpu.memory_space<semaphore_mem>> -> memref<!tpu.dma_semaphore, #tpu.memory_space<semaphore_mem>>
    tpu.enqueue_indirect_dma source(%dma_start3A_51 : memref<1000001x32xf32, #tpu.memory_space<hbm>>) target(%dma_start3A_46 : memref<512x32xf32, #tpu.memory_space<vmem>>) offsets(%dma_start3A_48 : memref<512xi32, #tpu.memory_space<vmem>>) semaphore(%dma_start3A_53 : memref<!tpu.dma_semaphore, #tpu.memory_space<semaphore_mem>>)
    %dma_start3A_54 = arith.constant 4 : i32
    %dma_start3A_55 = arith.constant 4 : i32
    %dma_start3A_56 = arith.constant 0 : i32
    %dma_start3A_57 = arith.constant 0 : i32
    %dma_start3A_58 = tpu.memref_slice %arg6[%dma_start3A_54, %dma_start3A_56, %dma_start3A_57] : memref<5x512x32xf32, #tpu.memory_space<vmem>> -> memref<1x512x32xf32, #tpu.memory_space<vmem>>
    %dma_start3A_59 = tpu.memref_squeeze %dma_start3A_58 : memref<1x512x32xf32, #tpu.memory_space<vmem>> -> memref<512x32xf32, #tpu.memory_space<vmem>>
    %dma_start3A_60 = arith.constant 2048 : i32
    %dma_start3A_61 = tpu.memref_slice %arg5[%dma_start3A_60] : memref<25600xi32, #tpu.memory_space<vmem>> -> memref<512xi32, #tpu.memory_space<vmem>>
    %dma_start3A_62 = arith.constant 0 : i32
    %dma_start3A_63 = arith.constant 0 : i32
    %dma_start3A_64 = tpu.memref_slice %arg3[%dma_start3A_62, %dma_start3A_63] : memref<1000001x32xf32, #tpu.memory_space<hbm>> -> memref<1000001x32xf32, #tpu.memory_space<hbm>>
    %dma_start3A_65 = tpu.memref_slice %arg7[%dma_start3A_55] : memref<5x!tpu.dma_semaphore, #tpu.memory_space<semaphore_mem>> -> memref<1x!tpu.dma_semaphore, #tpu.memory_space<semaphore_mem>>
    %dma_start3A_66 = tpu.memref_squeeze %dma_start3A_65 : memref<1x!tpu.dma_semaphore, #tpu.memory_space<semaphore_mem>> -> memref<!tpu.dma_semaphore, #tpu.memory_space<semaphore_mem>>
    tpu.enqueue_indirect_dma source(%dma_start3A_64 : memref<1000001x32xf32, #tpu.memory_space<hbm>>) target(%dma_start3A_59 : memref<512x32xf32, #tpu.memory_space<vmem>>) offsets(%dma_start3A_61 : memref<512xi32, #tpu.memory_space<vmem>>) semaphore(%dma_start3A_66 : memref<!tpu.dma_semaphore, #tpu.memory_space<semaphore_mem>>)
    %scan3A = arith.constant 0 : i32
    %scan3A_67 = arith.constant 0 : i32
    %scan3A_68 = arith.constant 10 : i32
    %scan3A_69 = arith.addi %scan3A_67, %scan3A_68 : i32
    %scan3A_70 = arith.constant 1 : i32
    scf.for %scan3A_151 = %scan3A_67 to %scan3A_69 step %scan3A_70  : i32 {
      %mul3A_152 = arith.constant 5 : i32
      %mul3A_153 = arith.muli %scan3A_151, %mul3A_152 : i32
      %add3A_154 = arith.constant 0 : i32
      %add3A_155 = arith.addi %mul3A_153, %add3A_154 : i32
      %dma_wait3A_156 = arith.constant 0 : i32
      %dma_wait3A_157 = arith.constant 0 : i32
      %dma_wait3A_158 = arith.constant 0 : i32
      %dma_wait3A_159 = arith.constant 0 : i32
      %dma_wait3A_160 = tpu.memref_slice %arg6[%dma_wait3A_156, %dma_wait3A_158, %dma_wait3A_159] : memref<5x512x32xf32, #tpu.memory_space<vmem>> -> memref<1x512x32xf32, #tpu.memory_space<vmem>>
      %dma_wait3A_161 = tpu.memref_squeeze %dma_wait3A_160 : memref<1x512x32xf32, #tpu.memory_space<vmem>> -> memref<512x32xf32, #tpu.memory_space<vmem>>
      %dma_wait3A_162 = arith.constant 0 : i32
      %dma_wait3A_163 = arith.constant 0 : i32
      %dma_wait3A_164 = tpu.memref_slice %arg3[%dma_wait3A_162, %dma_wait3A_163] : memref<1000001x32xf32, #tpu.memory_space<hbm>> -> memref<512x32xf32, #tpu.memory_space<hbm>>
      %dma_wait3A_165 = tpu.memref_slice %arg7[%dma_wait3A_157] : memref<5x!tpu.dma_semaphore, #tpu.memory_space<semaphore_mem>> -> memref<1x!tpu.dma_semaphore, #tpu.memory_space<semaphore_mem>>
      %dma_wait3A_166 = tpu.memref_squeeze %dma_wait3A_165 : memref<1x!tpu.dma_semaphore, #tpu.memory_space<semaphore_mem>> -> memref<!tpu.dma_semaphore, #tpu.memory_space<semaphore_mem>>
      %dma_wait3A_167 = arith.constant 0 : i32
      %dma_wait3A_168 = arith.constant 0 : i32
      %dma_wait3A_169 = tpu.memref_slice %arg6[%dma_wait3A_156, %dma_wait3A_167, %dma_wait3A_168] : memref<5x512x32xf32, #tpu.memory_space<vmem>> -> memref<1x512x32xf32, #tpu.memory_space<vmem>>
      %dma_wait3A_170 = tpu.memref_squeeze %dma_wait3A_169 : memref<1x512x32xf32, #tpu.memory_space<vmem>> -> memref<512x32xf32, #tpu.memory_space<vmem>>
      %dma_wait3A_171 = arith.constant 0 : i32
      %dma_wait3A_172 = arith.constant 0 : i32
      %dma_wait3A_173 = tpu.memref_slice %arg3[%dma_wait3A_171, %dma_wait3A_172] : memref<1000001x32xf32, #tpu.memory_space<hbm>> -> memref<512x32xf32, #tpu.memory_space<hbm>>
      tpu.wait_dma2 semaphore(%dma_wait3A_166 : memref<!tpu.dma_semaphore, #tpu.memory_space<semaphore_mem>>) src(%dma_wait3A_173 : memref<512x32xf32, #tpu.memory_space<hbm>>) dst(%dma_wait3A_170 : memref<512x32xf32, #tpu.memory_space<vmem>>)
      %mul3A_174 = arith.constant 512 : i32
      %mul3A_175 = arith.muli %add3A_155, %mul3A_174 : i32
      %add3A_176 = arith.addi %mul3A_2, %mul3A_175 : i32
      %dma_start3A_177 = arith.constant 0 : i32
      %dma_start3A_178 = arith.constant 0 : i32
      %dma_start3A_179 = arith.constant 0 : i32
      %dma_start3A_180 = arith.constant 0 : i32
      %dma_start3A_181 = tpu.memref_slice %arg6[%dma_start3A_177, %dma_start3A_179, %dma_start3A_180] : memref<5x512x32xf32, #tpu.memory_space<vmem>> -> memref<1x512x32xf32, #tpu.memory_space<vmem>>
      %dma_start3A_182 = tpu.memref_squeeze %dma_start3A_181 : memref<1x512x32xf32, #tpu.memory_space<vmem>> -> memref<512x32xf32, #tpu.memory_space<vmem>>
      %dma_start3A_183 = arith.constant 0 : i32
      %dma_start3A_184 = tpu.memref_slice %arg4[%add3A_176, %dma_start3A_183] : memref<819200x32xf32, #tpu.memory_space<hbm>> -> memref<512x32xf32, #tpu.memory_space<hbm>>
      %dma_start3A_185 = tpu.memref_slice %arg8[%dma_start3A_178] : memref<5x!tpu.dma_semaphore, #tpu.memory_space<semaphore_mem>> -> memref<1x!tpu.dma_semaphore, #tpu.memory_space<semaphore_mem>>
      %dma_start3A_186 = tpu.memref_squeeze %dma_start3A_185 : memref<1x!tpu.dma_semaphore, #tpu.memory_space<semaphore_mem>> -> memref<!tpu.dma_semaphore, #tpu.memory_space<semaphore_mem>>
      %dma_start3A_187 = arith.constant 0 : i32
      %dma_start3A_188 = tpu.memref_slice %arg4[%add3A_176, %dma_start3A_187] : memref<819200x32xf32, #tpu.memory_space<hbm>> -> memref<512x32xf32, #tpu.memory_space<hbm>>
      %dma_start3A_189 = arith.constant 0 : i32
      %dma_start3A_190 = arith.constant 0 : i32
      %dma_start3A_191 = tpu.memref_slice %arg6[%dma_start3A_177, %dma_start3A_189, %dma_start3A_190] : memref<5x512x32xf32, #tpu.memory_space<vmem>> -> memref<1x512x32xf32, #tpu.memory_space<vmem>>
      %dma_start3A_192 = tpu.memref_squeeze %dma_start3A_191 : memref<1x512x32xf32, #tpu.memory_space<vmem>> -> memref<512x32xf32, #tpu.memory_space<vmem>>
      tpu.enqueue_dma source(%dma_start3A_192 : memref<512x32xf32, #tpu.memory_space<vmem>>) target(%dma_start3A_188 : memref<512x32xf32, #tpu.memory_space<hbm>>) target_semaphore(%dma_start3A_186 : memref<!tpu.dma_semaphore, #tpu.memory_space<semaphore_mem>>)
      %lt3A = arith.constant 9 : i32
      %lt3A_193 = arith.cmpi slt, %scan3A_151, %lt3A : i32
      %convert_element_type3A = arith.extui %lt3A_193 : i1 to i32
      %cond3A = arith.constant 0 : i32
      %cond3A_194 = arith.cmpi ne, %convert_element_type3A, %cond3A : i32
      scf.if %cond3A_194 {
        %dma_wait3A_379 = arith.constant 0 : i32
        %dma_wait3A_380 = arith.constant 0 : i32
        %dma_wait3A_381 = arith.constant 0 : i32
        %dma_wait3A_382 = arith.constant 0 : i32
        %dma_wait3A_383 = tpu.memref_slice %arg6[%dma_wait3A_379, %dma_wait3A_381, %dma_wait3A_382] : memref<5x512x32xf32, #tpu.memory_space<vmem>> -> memref<1x512x32xf32, #tpu.memory_space<vmem>>
        %dma_wait3A_384 = tpu.memref_squeeze %dma_wait3A_383 : memref<1x512x32xf32, #tpu.memory_space<vmem>> -> memref<512x32xf32, #tpu.memory_space<vmem>>
        %dma_wait3A_385 = arith.constant 0 : i32
        %dma_wait3A_386 = tpu.memref_slice %arg4[%mul3A_2, %dma_wait3A_385] : memref<819200x32xf32, #tpu.memory_space<hbm>> -> memref<512x32xf32, #tpu.memory_space<hbm>>
        %dma_wait3A_387 = tpu.memref_slice %arg8[%dma_wait3A_380] : memref<5x!tpu.dma_semaphore, #tpu.memory_space<semaphore_mem>> -> memref<1x!tpu.dma_semaphore, #tpu.memory_space<semaphore_mem>>
        %dma_wait3A_388 = tpu.memref_squeeze %dma_wait3A_387 : memref<1x!tpu.dma_semaphore, #tpu.memory_space<semaphore_mem>> -> memref<!tpu.dma_semaphore, #tpu.memory_space<semaphore_mem>>
        %dma_wait3A_389 = arith.constant 0 : i32
        %dma_wait3A_390 = tpu.memref_slice %arg4[%mul3A_2, %dma_wait3A_389] : memref<819200x32xf32, #tpu.memory_space<hbm>> -> memref<512x32xf32, #tpu.memory_space<hbm>>
        %dma_wait3A_391 = arith.constant 0 : i32
        %dma_wait3A_392 = arith.constant 0 : i32
        %dma_wait3A_393 = tpu.memref_slice %arg6[%dma_wait3A_379, %dma_wait3A_391, %dma_wait3A_392] : memref<5x512x32xf32, #tpu.memory_space<vmem>> -> memref<1x512x32xf32, #tpu.memory_space<vmem>>
        %dma_wait3A_394 = tpu.memref_squeeze %dma_wait3A_393 : memref<1x512x32xf32, #tpu.memory_space<vmem>> -> memref<512x32xf32, #tpu.memory_space<vmem>>
        tpu.wait_dma2 semaphore(%dma_wait3A_388 : memref<!tpu.dma_semaphore, #tpu.memory_space<semaphore_mem>>) src(%dma_wait3A_394 : memref<512x32xf32, #tpu.memory_space<vmem>>) dst(%dma_wait3A_390 : memref<512x32xf32, #tpu.memory_space<hbm>>)
        %add3A_395 = arith.constant 5 : i32
        %add3A_396 = arith.addi %add3A_155, %add3A_395 : i32
        %mul3A_397 = arith.constant 512 : i32
        %mul3A_398 = arith.muli %add3A_396, %mul3A_397 : i32
        %dma_start3A_399 = arith.constant 0 : i32
        %dma_start3A_400 = arith.constant 0 : i32
        %dma_start3A_401 = arith.constant 0 : i32
        %dma_start3A_402 = arith.constant 0 : i32
        %dma_start3A_403 = tpu.memref_slice %arg6[%dma_start3A_399, %dma_start3A_401, %dma_start3A_402] : memref<5x512x32xf32, #tpu.memory_space<vmem>> -> memref<1x512x32xf32, #tpu.memory_space<vmem>>
        %dma_start3A_404 = tpu.memref_squeeze %dma_start3A_403 : memref<1x512x32xf32, #tpu.memory_space<vmem>> -> memref<512x32xf32, #tpu.memory_space<vmem>>
        %dma_start3A_405 = tpu.memref_slice %arg5[%mul3A_398] : memref<25600xi32, #tpu.memory_space<vmem>> -> memref<512xi32, #tpu.memory_space<vmem>>
        %dma_start3A_406 = arith.constant 0 : i32
        %dma_start3A_407 = arith.constant 0 : i32
        %dma_start3A_408 = tpu.memref_slice %arg3[%dma_start3A_406, %dma_start3A_407] : memref<1000001x32xf32, #tpu.memory_space<hbm>> -> memref<1000001x32xf32, #tpu.memory_space<hbm>>
        %dma_start3A_409 = tpu.memref_slice %arg7[%dma_start3A_400] : memref<5x!tpu.dma_semaphore, #tpu.memory_space<semaphore_mem>> -> memref<1x!tpu.dma_semaphore, #tpu.memory_space<semaphore_mem>>
        %dma_start3A_410 = tpu.memref_squeeze %dma_start3A_409 : memref<1x!tpu.dma_semaphore, #tpu.memory_space<semaphore_mem>> -> memref<!tpu.dma_semaphore, #tpu.memory_space<semaphore_mem>>
        tpu.enqueue_indirect_dma source(%dma_start3A_408 : memref<1000001x32xf32, #tpu.memory_space<hbm>>) target(%dma_start3A_404 : memref<512x32xf32, #tpu.memory_space<vmem>>) offsets(%dma_start3A_405 : memref<512xi32, #tpu.memory_space<vmem>>) semaphore(%dma_start3A_410 : memref<!tpu.dma_semaphore, #tpu.memory_space<semaphore_mem>>)
      } else {
      }
      %mul3A_195 = arith.constant 5 : i32
      %mul3A_196 = arith.muli %scan3A_151, %mul3A_195 : i32
      %add3A_197 = arith.constant 1 : i32
      %add3A_198 = arith.addi %mul3A_196, %add3A_197 : i32
      %dma_wait3A_199 = arith.constant 1 : i32
      %dma_wait3A_200 = arith.constant 1 : i32
      %dma_wait3A_201 = arith.constant 0 : i32
      %dma_wait3A_202 = arith.constant 0 : i32
      %dma_wait3A_203 = tpu.memref_slice %arg6[%dma_wait3A_199, %dma_wait3A_201, %dma_wait3A_202] : memref<5x512x32xf32, #tpu.memory_space<vmem>> -> memref<1x512x32xf32, #tpu.memory_space<vmem>>
      %dma_wait3A_204 = tpu.memref_squeeze %dma_wait3A_203 : memref<1x512x32xf32, #tpu.memory_space<vmem>> -> memref<512x32xf32, #tpu.memory_space<vmem>>
      %dma_wait3A_205 = arith.constant 0 : i32
      %dma_wait3A_206 = arith.constant 0 : i32
      %dma_wait3A_207 = tpu.memref_slice %arg3[%dma_wait3A_205, %dma_wait3A_206] : memref<1000001x32xf32, #tpu.memory_space<hbm>> -> memref<512x32xf32, #tpu.memory_space<hbm>>
      %dma_wait3A_208 = tpu.memref_slice %arg7[%dma_wait3A_200] : memref<5x!tpu.dma_semaphore, #tpu.memory_space<semaphore_mem>> -> memref<1x!tpu.dma_semaphore, #tpu.memory_space<semaphore_mem>>
      %dma_wait3A_209 = tpu.memref_squeeze %dma_wait3A_208 : memref<1x!tpu.dma_semaphore, #tpu.memory_space<semaphore_mem>> -> memref<!tpu.dma_semaphore, #tpu.memory_space<semaphore_mem>>
      %dma_wait3A_210 = arith.constant 0 : i32
      %dma_wait3A_211 = arith.constant 0 : i32
      %dma_wait3A_212 = tpu.memref_slice %arg6[%dma_wait3A_199, %dma_wait3A_210, %dma_wait3A_211] : memref<5x512x32xf32, #tpu.memory_space<vmem>> -> memref<1x512x32xf32, #tpu.memory_space<vmem>>
      %dma_wait3A_213 = tpu.memref_squeeze %dma_wait3A_212 : memref<1x512x32xf32, #tpu.memory_space<vmem>> -> memref<512x32xf32, #tpu.memory_space<vmem>>
      %dma_wait3A_214 = arith.constant 0 : i32
      %dma_wait3A_215 = arith.constant 0 : i32
      %dma_wait3A_216 = tpu.memref_slice %arg3[%dma_wait3A_214, %dma_wait3A_215] : memref<1000001x32xf32, #tpu.memory_space<hbm>> -> memref<512x32xf32, #tpu.memory_space<hbm>>
      tpu.wait_dma2 semaphore(%dma_wait3A_209 : memref<!tpu.dma_semaphore, #tpu.memory_space<semaphore_mem>>) src(%dma_wait3A_216 : memref<512x32xf32, #tpu.memory_space<hbm>>) dst(%dma_wait3A_213 : memref<512x32xf32, #tpu.memory_space<vmem>>)
      %mul3A_217 = arith.constant 512 : i32
      %mul3A_218 = arith.muli %add3A_198, %mul3A_217 : i32
      %add3A_219 = arith.addi %mul3A_2, %mul3A_218 : i32
      %dma_start3A_220 = arith.constant 1 : i32
      %dma_start3A_221 = arith.constant 1 : i32
      %dma_start3A_222 = arith.constant 0 : i32
      %dma_start3A_223 = arith.constant 0 : i32
      %dma_start3A_224 = tpu.memref_slice %arg6[%dma_start3A_220, %dma_start3A_222, %dma_start3A_223] : memref<5x512x32xf32, #tpu.memory_space<vmem>> -> memref<1x512x32xf32, #tpu.memory_space<vmem>>
      %dma_start3A_225 = tpu.memref_squeeze %dma_start3A_224 : memref<1x512x32xf32, #tpu.memory_space<vmem>> -> memref<512x32xf32, #tpu.memory_space<vmem>>
      %dma_start3A_226 = arith.constant 0 : i32
      %dma_start3A_227 = tpu.memref_slice %arg4[%add3A_219, %dma_start3A_226] : memref<819200x32xf32, #tpu.memory_space<hbm>> -> memref<512x32xf32, #tpu.memory_space<hbm>>
      %dma_start3A_228 = tpu.memref_slice %arg8[%dma_start3A_221] : memref<5x!tpu.dma_semaphore, #tpu.memory_space<semaphore_mem>> -> memref<1x!tpu.dma_semaphore, #tpu.memory_space<semaphore_mem>>
      %dma_start3A_229 = tpu.memref_squeeze %dma_start3A_228 : memref<1x!tpu.dma_semaphore, #tpu.memory_space<semaphore_mem>> -> memref<!tpu.dma_semaphore, #tpu.memory_space<semaphore_mem>>
      %dma_start3A_230 = arith.constant 0 : i32
      %dma_start3A_231 = tpu.memref_slice %arg4[%add3A_219, %dma_start3A_230] : memref<819200x32xf32, #tpu.memory_space<hbm>> -> memref<512x32xf32, #tpu.memory_space<hbm>>
      %dma_start3A_232 = arith.constant 0 : i32
      %dma_start3A_233 = arith.constant 0 : i32
      %dma_start3A_234 = tpu.memref_slice %arg6[%dma_start3A_220, %dma_start3A_232, %dma_start3A_233] : memref<5x512x32xf32, #tpu.memory_space<vmem>> -> memref<1x512x32xf32, #tpu.memory_space<vmem>>
      %dma_start3A_235 = tpu.memref_squeeze %dma_start3A_234 : memref<1x512x32xf32, #tpu.memory_space<vmem>> -> memref<512x32xf32, #tpu.memory_space<vmem>>
      tpu.enqueue_dma source(%dma_start3A_235 : memref<512x32xf32, #tpu.memory_space<vmem>>) target(%dma_start3A_231 : memref<512x32xf32, #tpu.memory_space<hbm>>) target_semaphore(%dma_start3A_229 : memref<!tpu.dma_semaphore, #tpu.memory_space<semaphore_mem>>)
      %lt3A_236 = arith.constant 9 : i32
      %lt3A_237 = arith.cmpi slt, %scan3A_151, %lt3A_236 : i32
      %convert_element_type3A_238 = arith.extui %lt3A_237 : i1 to i32
      %cond3A_239 = arith.constant 0 : i32
      %cond3A_240 = arith.cmpi ne, %convert_element_type3A_238, %cond3A_239 : i32
      scf.if %cond3A_240 {
        %dma_wait3A_379 = arith.constant 1 : i32
        %dma_wait3A_380 = arith.constant 1 : i32
        %dma_wait3A_381 = arith.constant 0 : i32
        %dma_wait3A_382 = arith.constant 0 : i32
        %dma_wait3A_383 = tpu.memref_slice %arg6[%dma_wait3A_379, %dma_wait3A_381, %dma_wait3A_382] : memref<5x512x32xf32, #tpu.memory_space<vmem>> -> memref<1x512x32xf32, #tpu.memory_space<vmem>>
        %dma_wait3A_384 = tpu.memref_squeeze %dma_wait3A_383 : memref<1x512x32xf32, #tpu.memory_space<vmem>> -> memref<512x32xf32, #tpu.memory_space<vmem>>
        %dma_wait3A_385 = arith.constant 0 : i32
        %dma_wait3A_386 = tpu.memref_slice %arg4[%mul3A_2, %dma_wait3A_385] : memref<819200x32xf32, #tpu.memory_space<hbm>> -> memref<512x32xf32, #tpu.memory_space<hbm>>
        %dma_wait3A_387 = tpu.memref_slice %arg8[%dma_wait3A_380] : memref<5x!tpu.dma_semaphore, #tpu.memory_space<semaphore_mem>> -> memref<1x!tpu.dma_semaphore, #tpu.memory_space<semaphore_mem>>
        %dma_wait3A_388 = tpu.memref_squeeze %dma_wait3A_387 : memref<1x!tpu.dma_semaphore, #tpu.memory_space<semaphore_mem>> -> memref<!tpu.dma_semaphore, #tpu.memory_space<semaphore_mem>>
        %dma_wait3A_389 = arith.constant 0 : i32
        %dma_wait3A_390 = tpu.memref_slice %arg4[%mul3A_2, %dma_wait3A_389] : memref<819200x32xf32, #tpu.memory_space<hbm>> -> memref<512x32xf32, #tpu.memory_space<hbm>>
        %dma_wait3A_391 = arith.constant 0 : i32
        %dma_wait3A_392 = arith.constant 0 : i32
        %dma_wait3A_393 = tpu.memref_slice %arg6[%dma_wait3A_379, %dma_wait3A_391, %dma_wait3A_392] : memref<5x512x32xf32, #tpu.memory_space<vmem>> -> memref<1x512x32xf32, #tpu.memory_space<vmem>>
        %dma_wait3A_394 = tpu.memref_squeeze %dma_wait3A_393 : memref<1x512x32xf32, #tpu.memory_space<vmem>> -> memref<512x32xf32, #tpu.memory_space<vmem>>
        tpu.wait_dma2 semaphore(%dma_wait3A_388 : memref<!tpu.dma_semaphore, #tpu.memory_space<semaphore_mem>>) src(%dma_wait3A_394 : memref<512x32xf32, #tpu.memory_space<vmem>>) dst(%dma_wait3A_390 : memref<512x32xf32, #tpu.memory_space<hbm>>)
        %add3A_395 = arith.constant 5 : i32
        %add3A_396 = arith.addi %add3A_198, %add3A_395 : i32
        %mul3A_397 = arith.constant 512 : i32
        %mul3A_398 = arith.muli %add3A_396, %mul3A_397 : i32
        %dma_start3A_399 = arith.constant 1 : i32
        %dma_start3A_400 = arith.constant 1 : i32
        %dma_start3A_401 = arith.constant 0 : i32
        %dma_start3A_402 = arith.constant 0 : i32
        %dma_start3A_403 = tpu.memref_slice %arg6[%dma_start3A_399, %dma_start3A_401, %dma_start3A_402] : memref<5x512x32xf32, #tpu.memory_space<vmem>> -> memref<1x512x32xf32, #tpu.memory_space<vmem>>
        %dma_start3A_404 = tpu.memref_squeeze %dma_start3A_403 : memref<1x512x32xf32, #tpu.memory_space<vmem>> -> memref<512x32xf32, #tpu.memory_space<vmem>>
        %dma_start3A_405 = tpu.memref_slice %arg5[%mul3A_398] : memref<25600xi32, #tpu.memory_space<vmem>> -> memref<512xi32, #tpu.memory_space<vmem>>
        %dma_start3A_406 = arith.constant 0 : i32
        %dma_start3A_407 = arith.constant 0 : i32
        %dma_start3A_408 = tpu.memref_slice %arg3[%dma_start3A_406, %dma_start3A_407] : memref<1000001x32xf32, #tpu.memory_space<hbm>> -> memref<1000001x32xf32, #tpu.memory_space<hbm>>
        %dma_start3A_409 = tpu.memref_slice %arg7[%dma_start3A_400] : memref<5x!tpu.dma_semaphore, #tpu.memory_space<semaphore_mem>> -> memref<1x!tpu.dma_semaphore, #tpu.memory_space<semaphore_mem>>
        %dma_start3A_410 = tpu.memref_squeeze %dma_start3A_409 : memref<1x!tpu.dma_semaphore, #tpu.memory_space<semaphore_mem>> -> memref<!tpu.dma_semaphore, #tpu.memory_space<semaphore_mem>>
        tpu.enqueue_indirect_dma source(%dma_start3A_408 : memref<1000001x32xf32, #tpu.memory_space<hbm>>) target(%dma_start3A_404 : memref<512x32xf32, #tpu.memory_space<vmem>>) offsets(%dma_start3A_405 : memref<512xi32, #tpu.memory_space<vmem>>) semaphore(%dma_start3A_410 : memref<!tpu.dma_semaphore, #tpu.memory_space<semaphore_mem>>)
      } else {
      }
      %mul3A_241 = arith.constant 5 : i32
      %mul3A_242 = arith.muli %scan3A_151, %mul3A_241 : i32
      %add3A_243 = arith.constant 2 : i32
      %add3A_244 = arith.addi %mul3A_242, %add3A_243 : i32
      %dma_wait3A_245 = arith.constant 2 : i32
      %dma_wait3A_246 = arith.constant 2 : i32
      %dma_wait3A_247 = arith.constant 0 : i32
      %dma_wait3A_248 = arith.constant 0 : i32
      %dma_wait3A_249 = tpu.memref_slice %arg6[%dma_wait3A_245, %dma_wait3A_247, %dma_wait3A_248] : memref<5x512x32xf32, #tpu.memory_space<vmem>> -> memref<1x512x32xf32, #tpu.memory_space<vmem>>
      %dma_wait3A_250 = tpu.memref_squeeze %dma_wait3A_249 : memref<1x512x32xf32, #tpu.memory_space<vmem>> -> memref<512x32xf32, #tpu.memory_space<vmem>>
      %dma_wait3A_251 = arith.constant 0 : i32
      %dma_wait3A_252 = arith.constant 0 : i32
      %dma_wait3A_253 = tpu.memref_slice %arg3[%dma_wait3A_251, %dma_wait3A_252] : memref<1000001x32xf32, #tpu.memory_space<hbm>> -> memref<512x32xf32, #tpu.memory_space<hbm>>
      %dma_wait3A_254 = tpu.memref_slice %arg7[%dma_wait3A_246] : memref<5x!tpu.dma_semaphore, #tpu.memory_space<semaphore_mem>> -> memref<1x!tpu.dma_semaphore, #tpu.memory_space<semaphore_mem>>
      %dma_wait3A_255 = tpu.memref_squeeze %dma_wait3A_254 : memref<1x!tpu.dma_semaphore, #tpu.memory_space<semaphore_mem>> -> memref<!tpu.dma_semaphore, #tpu.memory_space<semaphore_mem>>
      %dma_wait3A_256 = arith.constant 0 : i32
      %dma_wait3A_257 = arith.constant 0 : i32
      %dma_wait3A_258 = tpu.memref_slice %arg6[%dma_wait3A_245, %dma_wait3A_256, %dma_wait3A_257] : memref<5x512x32xf32, #tpu.memory_space<vmem>> -> memref<1x512x32xf32, #tpu.memory_space<vmem>>
      %dma_wait3A_259 = tpu.memref_squeeze %dma_wait3A_258 : memref<1x512x32xf32, #tpu.memory_space<vmem>> -> memref<512x32xf32, #tpu.memory_space<vmem>>
      %dma_wait3A_260 = arith.constant 0 : i32
      %dma_wait3A_261 = arith.constant 0 : i32
      %dma_wait3A_262 = tpu.memref_slice %arg3[%dma_wait3A_260, %dma_wait3A_261] : memref<1000001x32xf32, #tpu.memory_space<hbm>> -> memref<512x32xf32, #tpu.memory_space<hbm>>
      tpu.wait_dma2 semaphore(%dma_wait3A_255 : memref<!tpu.dma_semaphore, #tpu.memory_space<semaphore_mem>>) src(%dma_wait3A_262 : memref<512x32xf32, #tpu.memory_space<hbm>>) dst(%dma_wait3A_259 : memref<512x32xf32, #tpu.memory_space<vmem>>)
      %mul3A_263 = arith.constant 512 : i32
      %mul3A_264 = arith.muli %add3A_244, %mul3A_263 : i32
      %add3A_265 = arith.addi %mul3A_2, %mul3A_264 : i32
      %dma_start3A_266 = arith.constant 2 : i32
      %dma_start3A_267 = arith.constant 2 : i32
      %dma_start3A_268 = arith.constant 0 : i32
      %dma_start3A_269 = arith.constant 0 : i32
      %dma_start3A_270 = tpu.memref_slice %arg6[%dma_start3A_266, %dma_start3A_268, %dma_start3A_269] : memref<5x512x32xf32, #tpu.memory_space<vmem>> -> memref<1x512x32xf32, #tpu.memory_space<vmem>>
      %dma_start3A_271 = tpu.memref_squeeze %dma_start3A_270 : memref<1x512x32xf32, #tpu.memory_space<vmem>> -> memref<512x32xf32, #tpu.memory_space<vmem>>
      %dma_start3A_272 = arith.constant 0 : i32
      %dma_start3A_273 = tpu.memref_slice %arg4[%add3A_265, %dma_start3A_272] : memref<819200x32xf32, #tpu.memory_space<hbm>> -> memref<512x32xf32, #tpu.memory_space<hbm>>
      %dma_start3A_274 = tpu.memref_slice %arg8[%dma_start3A_267] : memref<5x!tpu.dma_semaphore, #tpu.memory_space<semaphore_mem>> -> memref<1x!tpu.dma_semaphore, #tpu.memory_space<semaphore_mem>>
      %dma_start3A_275 = tpu.memref_squeeze %dma_start3A_274 : memref<1x!tpu.dma_semaphore, #tpu.memory_space<semaphore_mem>> -> memref<!tpu.dma_semaphore, #tpu.memory_space<semaphore_mem>>
      %dma_start3A_276 = arith.constant 0 : i32
      %dma_start3A_277 = tpu.memref_slice %arg4[%add3A_265, %dma_start3A_276] : memref<819200x32xf32, #tpu.memory_space<hbm>> -> memref<512x32xf32, #tpu.memory_space<hbm>>
      %dma_start3A_278 = arith.constant 0 : i32
      %dma_start3A_279 = arith.constant 0 : i32
      %dma_start3A_280 = tpu.memref_slice %arg6[%dma_start3A_266, %dma_start3A_278, %dma_start3A_279] : memref<5x512x32xf32, #tpu.memory_space<vmem>> -> memref<1x512x32xf32, #tpu.memory_space<vmem>>
      %dma_start3A_281 = tpu.memref_squeeze %dma_start3A_280 : memref<1x512x32xf32, #tpu.memory_space<vmem>> -> memref<512x32xf32, #tpu.memory_space<vmem>>
      tpu.enqueue_dma source(%dma_start3A_281 : memref<512x32xf32, #tpu.memory_space<vmem>>) target(%dma_start3A_277 : memref<512x32xf32, #tpu.memory_space<hbm>>) target_semaphore(%dma_start3A_275 : memref<!tpu.dma_semaphore, #tpu.memory_space<semaphore_mem>>)
      %lt3A_282 = arith.constant 9 : i32
      %lt3A_283 = arith.cmpi slt, %scan3A_151, %lt3A_282 : i32
      %convert_element_type3A_284 = arith.extui %lt3A_283 : i1 to i32
      %cond3A_285 = arith.constant 0 : i32
      %cond3A_286 = arith.cmpi ne, %convert_element_type3A_284, %cond3A_285 : i32
      scf.if %cond3A_286 {
        %dma_wait3A_379 = arith.constant 2 : i32
        %dma_wait3A_380 = arith.constant 2 : i32
        %dma_wait3A_381 = arith.constant 0 : i32
        %dma_wait3A_382 = arith.constant 0 : i32
        %dma_wait3A_383 = tpu.memref_slice %arg6[%dma_wait3A_379, %dma_wait3A_381, %dma_wait3A_382] : memref<5x512x32xf32, #tpu.memory_space<vmem>> -> memref<1x512x32xf32, #tpu.memory_space<vmem>>
        %dma_wait3A_384 = tpu.memref_squeeze %dma_wait3A_383 : memref<1x512x32xf32, #tpu.memory_space<vmem>> -> memref<512x32xf32, #tpu.memory_space<vmem>>
        %dma_wait3A_385 = arith.constant 0 : i32
        %dma_wait3A_386 = tpu.memref_slice %arg4[%mul3A_2, %dma_wait3A_385] : memref<819200x32xf32, #tpu.memory_space<hbm>> -> memref<512x32xf32, #tpu.memory_space<hbm>>
        %dma_wait3A_387 = tpu.memref_slice %arg8[%dma_wait3A_380] : memref<5x!tpu.dma_semaphore, #tpu.memory_space<semaphore_mem>> -> memref<1x!tpu.dma_semaphore, #tpu.memory_space<semaphore_mem>>
        %dma_wait3A_388 = tpu.memref_squeeze %dma_wait3A_387 : memref<1x!tpu.dma_semaphore, #tpu.memory_space<semaphore_mem>> -> memref<!tpu.dma_semaphore, #tpu.memory_space<semaphore_mem>>
        %dma_wait3A_389 = arith.constant 0 : i32
        %dma_wait3A_390 = tpu.memref_slice %arg4[%mul3A_2, %dma_wait3A_389] : memref<819200x32xf32, #tpu.memory_space<hbm>> -> memref<512x32xf32, #tpu.memory_space<hbm>>
        %dma_wait3A_391 = arith.constant 0 : i32
        %dma_wait3A_392 = arith.constant 0 : i32
        %dma_wait3A_393 = tpu.memref_slice %arg6[%dma_wait3A_379, %dma_wait3A_391, %dma_wait3A_392] : memref<5x512x32xf32, #tpu.memory_space<vmem>> -> memref<1x512x32xf32, #tpu.memory_space<vmem>>
        %dma_wait3A_394 = tpu.memref_squeeze %dma_wait3A_393 : memref<1x512x32xf32, #tpu.memory_space<vmem>> -> memref<512x32xf32, #tpu.memory_space<vmem>>
        tpu.wait_dma2 semaphore(%dma_wait3A_388 : memref<!tpu.dma_semaphore, #tpu.memory_space<semaphore_mem>>) src(%dma_wait3A_394 : memref<512x32xf32, #tpu.memory_space<vmem>>) dst(%dma_wait3A_390 : memref<512x32xf32, #tpu.memory_space<hbm>>)
        %add3A_395 = arith.constant 5 : i32
        %add3A_396 = arith.addi %add3A_244, %add3A_395 : i32
        %mul3A_397 = arith.constant 512 : i32
        %mul3A_398 = arith.muli %add3A_396, %mul3A_397 : i32
        %dma_start3A_399 = arith.constant 2 : i32
        %dma_start3A_400 = arith.constant 2 : i32
        %dma_start3A_401 = arith.constant 0 : i32
        %dma_start3A_402 = arith.constant 0 : i32
        %dma_start3A_403 = tpu.memref_slice %arg6[%dma_start3A_399, %dma_start3A_401, %dma_start3A_402] : memref<5x512x32xf32, #tpu.memory_space<vmem>> -> memref<1x512x32xf32, #tpu.memory_space<vmem>>
        %dma_start3A_404 = tpu.memref_squeeze %dma_start3A_403 : memref<1x512x32xf32, #tpu.memory_space<vmem>> -> memref<512x32xf32, #tpu.memory_space<vmem>>
        %dma_start3A_405 = tpu.memref_slice %arg5[%mul3A_398] : memref<25600xi32, #tpu.memory_space<vmem>> -> memref<512xi32, #tpu.memory_space<vmem>>
        %dma_start3A_406 = arith.constant 0 : i32
        %dma_start3A_407 = arith.constant 0 : i32
        %dma_start3A_408 = tpu.memref_slice %arg3[%dma_start3A_406, %dma_start3A_407] : memref<1000001x32xf32, #tpu.memory_space<hbm>> -> memref<1000001x32xf32, #tpu.memory_space<hbm>>
        %dma_start3A_409 = tpu.memref_slice %arg7[%dma_start3A_400] : memref<5x!tpu.dma_semaphore, #tpu.memory_space<semaphore_mem>> -> memref<1x!tpu.dma_semaphore, #tpu.memory_space<semaphore_mem>>
        %dma_start3A_410 = tpu.memref_squeeze %dma_start3A_409 : memref<1x!tpu.dma_semaphore, #tpu.memory_space<semaphore_mem>> -> memref<!tpu.dma_semaphore, #tpu.memory_space<semaphore_mem>>
        tpu.enqueue_indirect_dma source(%dma_start3A_408 : memref<1000001x32xf32, #tpu.memory_space<hbm>>) target(%dma_start3A_404 : memref<512x32xf32, #tpu.memory_space<vmem>>) offsets(%dma_start3A_405 : memref<512xi32, #tpu.memory_space<vmem>>) semaphore(%dma_start3A_410 : memref<!tpu.dma_semaphore, #tpu.memory_space<semaphore_mem>>)
      } else {
      }
      %mul3A_287 = arith.constant 5 : i32
      %mul3A_288 = arith.muli %scan3A_151, %mul3A_287 : i32
      %add3A_289 = arith.constant 3 : i32
      %add3A_290 = arith.addi %mul3A_288, %add3A_289 : i32
      %dma_wait3A_291 = arith.constant 3 : i32
      %dma_wait3A_292 = arith.constant 3 : i32
      %dma_wait3A_293 = arith.constant 0 : i32
      %dma_wait3A_294 = arith.constant 0 : i32
      %dma_wait3A_295 = tpu.memref_slice %arg6[%dma_wait3A_291, %dma_wait3A_293, %dma_wait3A_294] : memref<5x512x32xf32, #tpu.memory_space<vmem>> -> memref<1x512x32xf32, #tpu.memory_space<vmem>>
      %dma_wait3A_296 = tpu.memref_squeeze %dma_wait3A_295 : memref<1x512x32xf32, #tpu.memory_space<vmem>> -> memref<512x32xf32, #tpu.memory_space<vmem>>
      %dma_wait3A_297 = arith.constant 0 : i32
      %dma_wait3A_298 = arith.constant 0 : i32
      %dma_wait3A_299 = tpu.memref_slice %arg3[%dma_wait3A_297, %dma_wait3A_298] : memref<1000001x32xf32, #tpu.memory_space<hbm>> -> memref<512x32xf32, #tpu.memory_space<hbm>>
      %dma_wait3A_300 = tpu.memref_slice %arg7[%dma_wait3A_292] : memref<5x!tpu.dma_semaphore, #tpu.memory_space<semaphore_mem>> -> memref<1x!tpu.dma_semaphore, #tpu.memory_space<semaphore_mem>>
      %dma_wait3A_301 = tpu.memref_squeeze %dma_wait3A_300 : memref<1x!tpu.dma_semaphore, #tpu.memory_space<semaphore_mem>> -> memref<!tpu.dma_semaphore, #tpu.memory_space<semaphore_mem>>
      %dma_wait3A_302 = arith.constant 0 : i32
      %dma_wait3A_303 = arith.constant 0 : i32
      %dma_wait3A_304 = tpu.memref_slice %arg6[%dma_wait3A_291, %dma_wait3A_302, %dma_wait3A_303] : memref<5x512x32xf32, #tpu.memory_space<vmem>> -> memref<1x512x32xf32, #tpu.memory_space<vmem>>
      %dma_wait3A_305 = tpu.memref_squeeze %dma_wait3A_304 : memref<1x512x32xf32, #tpu.memory_space<vmem>> -> memref<512x32xf32, #tpu.memory_space<vmem>>
      %dma_wait3A_306 = arith.constant 0 : i32
      %dma_wait3A_307 = arith.constant 0 : i32
      %dma_wait3A_308 = tpu.memref_slice %arg3[%dma_wait3A_306, %dma_wait3A_307] : memref<1000001x32xf32, #tpu.memory_space<hbm>> -> memref<512x32xf32, #tpu.memory_space<hbm>>
      tpu.wait_dma2 semaphore(%dma_wait3A_301 : memref<!tpu.dma_semaphore, #tpu.memory_space<semaphore_mem>>) src(%dma_wait3A_308 : memref<512x32xf32, #tpu.memory_space<hbm>>) dst(%dma_wait3A_305 : memref<512x32xf32, #tpu.memory_space<vmem>>)
      %mul3A_309 = arith.constant 512 : i32
      %mul3A_310 = arith.muli %add3A_290, %mul3A_309 : i32
      %add3A_311 = arith.addi %mul3A_2, %mul3A_310 : i32
      %dma_start3A_312 = arith.constant 3 : i32
      %dma_start3A_313 = arith.constant 3 : i32
      %dma_start3A_314 = arith.constant 0 : i32
      %dma_start3A_315 = arith.constant 0 : i32
      %dma_start3A_316 = tpu.memref_slice %arg6[%dma_start3A_312, %dma_start3A_314, %dma_start3A_315] : memref<5x512x32xf32, #tpu.memory_space<vmem>> -> memref<1x512x32xf32, #tpu.memory_space<vmem>>
      %dma_start3A_317 = tpu.memref_squeeze %dma_start3A_316 : memref<1x512x32xf32, #tpu.memory_space<vmem>> -> memref<512x32xf32, #tpu.memory_space<vmem>>
      %dma_start3A_318 = arith.constant 0 : i32
      %dma_start3A_319 = tpu.memref_slice %arg4[%add3A_311, %dma_start3A_318] : memref<819200x32xf32, #tpu.memory_space<hbm>> -> memref<512x32xf32, #tpu.memory_space<hbm>>
      %dma_start3A_320 = tpu.memref_slice %arg8[%dma_start3A_313] : memref<5x!tpu.dma_semaphore, #tpu.memory_space<semaphore_mem>> -> memref<1x!tpu.dma_semaphore, #tpu.memory_space<semaphore_mem>>
      %dma_start3A_321 = tpu.memref_squeeze %dma_start3A_320 : memref<1x!tpu.dma_semaphore, #tpu.memory_space<semaphore_mem>> -> memref<!tpu.dma_semaphore, #tpu.memory_space<semaphore_mem>>
      %dma_start3A_322 = arith.constant 0 : i32
      %dma_start3A_323 = tpu.memref_slice %arg4[%add3A_311, %dma_start3A_322] : memref<819200x32xf32, #tpu.memory_space<hbm>> -> memref<512x32xf32, #tpu.memory_space<hbm>>
      %dma_start3A_324 = arith.constant 0 : i32
      %dma_start3A_325 = arith.constant 0 : i32
      %dma_start3A_326 = tpu.memref_slice %arg6[%dma_start3A_312, %dma_start3A_324, %dma_start3A_325] : memref<5x512x32xf32, #tpu.memory_space<vmem>> -> memref<1x512x32xf32, #tpu.memory_space<vmem>>
      %dma_start3A_327 = tpu.memref_squeeze %dma_start3A_326 : memref<1x512x32xf32, #tpu.memory_space<vmem>> -> memref<512x32xf32, #tpu.memory_space<vmem>>
      tpu.enqueue_dma source(%dma_start3A_327 : memref<512x32xf32, #tpu.memory_space<vmem>>) target(%dma_start3A_323 : memref<512x32xf32, #tpu.memory_space<hbm>>) target_semaphore(%dma_start3A_321 : memref<!tpu.dma_semaphore, #tpu.memory_space<semaphore_mem>>)
      %lt3A_328 = arith.constant 9 : i32
      %lt3A_329 = arith.cmpi slt, %scan3A_151, %lt3A_328 : i32
      %convert_element_type3A_330 = arith.extui %lt3A_329 : i1 to i32
      %cond3A_331 = arith.constant 0 : i32
      %cond3A_332 = arith.cmpi ne, %convert_element_type3A_330, %cond3A_331 : i32
      scf.if %cond3A_332 {
        %dma_wait3A_379 = arith.constant 3 : i32
        %dma_wait3A_380 = arith.constant 3 : i32
        %dma_wait3A_381 = arith.constant 0 : i32
        %dma_wait3A_382 = arith.constant 0 : i32
        %dma_wait3A_383 = tpu.memref_slice %arg6[%dma_wait3A_379, %dma_wait3A_381, %dma_wait3A_382] : memref<5x512x32xf32, #tpu.memory_space<vmem>> -> memref<1x512x32xf32, #tpu.memory_space<vmem>>
        %dma_wait3A_384 = tpu.memref_squeeze %dma_wait3A_383 : memref<1x512x32xf32, #tpu.memory_space<vmem>> -> memref<512x32xf32, #tpu.memory_space<vmem>>
        %dma_wait3A_385 = arith.constant 0 : i32
        %dma_wait3A_386 = tpu.memref_slice %arg4[%mul3A_2, %dma_wait3A_385] : memref<819200x32xf32, #tpu.memory_space<hbm>> -> memref<512x32xf32, #tpu.memory_space<hbm>>
        %dma_wait3A_387 = tpu.memref_slice %arg8[%dma_wait3A_380] : memref<5x!tpu.dma_semaphore, #tpu.memory_space<semaphore_mem>> -> memref<1x!tpu.dma_semaphore, #tpu.memory_space<semaphore_mem>>
        %dma_wait3A_388 = tpu.memref_squeeze %dma_wait3A_387 : memref<1x!tpu.dma_semaphore, #tpu.memory_space<semaphore_mem>> -> memref<!tpu.dma_semaphore, #tpu.memory_space<semaphore_mem>>
        %dma_wait3A_389 = arith.constant 0 : i32
        %dma_wait3A_390 = tpu.memref_slice %arg4[%mul3A_2, %dma_wait3A_389] : memref<819200x32xf32, #tpu.memory_space<hbm>> -> memref<512x32xf32, #tpu.memory_space<hbm>>
        %dma_wait3A_391 = arith.constant 0 : i32
        %dma_wait3A_392 = arith.constant 0 : i32
        %dma_wait3A_393 = tpu.memref_slice %arg6[%dma_wait3A_379, %dma_wait3A_391, %dma_wait3A_392] : memref<5x512x32xf32, #tpu.memory_space<vmem>> -> memref<1x512x32xf32, #tpu.memory_space<vmem>>
        %dma_wait3A_394 = tpu.memref_squeeze %dma_wait3A_393 : memref<1x512x32xf32, #tpu.memory_space<vmem>> -> memref<512x32xf32, #tpu.memory_space<vmem>>
        tpu.wait_dma2 semaphore(%dma_wait3A_388 : memref<!tpu.dma_semaphore, #tpu.memory_space<semaphore_mem>>) src(%dma_wait3A_394 : memref<512x32xf32, #tpu.memory_space<vmem>>) dst(%dma_wait3A_390 : memref<512x32xf32, #tpu.memory_space<hbm>>)
        %add3A_395 = arith.constant 5 : i32
        %add3A_396 = arith.addi %add3A_290, %add3A_395 : i32
        %mul3A_397 = arith.constant 512 : i32
        %mul3A_398 = arith.muli %add3A_396, %mul3A_397 : i32
        %dma_start3A_399 = arith.constant 3 : i32
        %dma_start3A_400 = arith.constant 3 : i32
        %dma_start3A_401 = arith.constant 0 : i32
        %dma_start3A_402 = arith.constant 0 : i32
        %dma_start3A_403 = tpu.memref_slice %arg6[%dma_start3A_399, %dma_start3A_401, %dma_start3A_402] : memref<5x512x32xf32, #tpu.memory_space<vmem>> -> memref<1x512x32xf32, #tpu.memory_space<vmem>>
        %dma_start3A_404 = tpu.memref_squeeze %dma_start3A_403 : memref<1x512x32xf32, #tpu.memory_space<vmem>> -> memref<512x32xf32, #tpu.memory_space<vmem>>
        %dma_start3A_405 = tpu.memref_slice %arg5[%mul3A_398] : memref<25600xi32, #tpu.memory_space<vmem>> -> memref<512xi32, #tpu.memory_space<vmem>>
        %dma_start3A_406 = arith.constant 0 : i32
        %dma_start3A_407 = arith.constant 0 : i32
        %dma_start3A_408 = tpu.memref_slice %arg3[%dma_start3A_406, %dma_start3A_407] : memref<1000001x32xf32, #tpu.memory_space<hbm>> -> memref<1000001x32xf32, #tpu.memory_space<hbm>>
        %dma_start3A_409 = tpu.memref_slice %arg7[%dma_start3A_400] : memref<5x!tpu.dma_semaphore, #tpu.memory_space<semaphore_mem>> -> memref<1x!tpu.dma_semaphore, #tpu.memory_space<semaphore_mem>>
        %dma_start3A_410 = tpu.memref_squeeze %dma_start3A_409 : memref<1x!tpu.dma_semaphore, #tpu.memory_space<semaphore_mem>> -> memref<!tpu.dma_semaphore, #tpu.memory_space<semaphore_mem>>
        tpu.enqueue_indirect_dma source(%dma_start3A_408 : memref<1000001x32xf32, #tpu.memory_space<hbm>>) target(%dma_start3A_404 : memref<512x32xf32, #tpu.memory_space<vmem>>) offsets(%dma_start3A_405 : memref<512xi32, #tpu.memory_space<vmem>>) semaphore(%dma_start3A_410 : memref<!tpu.dma_semaphore, #tpu.memory_space<semaphore_mem>>)
      } else {
      }
      %mul3A_333 = arith.constant 5 : i32
      %mul3A_334 = arith.muli %scan3A_151, %mul3A_333 : i32
      %add3A_335 = arith.constant 4 : i32
      %add3A_336 = arith.addi %mul3A_334, %add3A_335 : i32
      %dma_wait3A_337 = arith.constant 4 : i32
      %dma_wait3A_338 = arith.constant 4 : i32
      %dma_wait3A_339 = arith.constant 0 : i32
      %dma_wait3A_340 = arith.constant 0 : i32
      %dma_wait3A_341 = tpu.memref_slice %arg6[%dma_wait3A_337, %dma_wait3A_339, %dma_wait3A_340] : memref<5x512x32xf32, #tpu.memory_space<vmem>> -> memref<1x512x32xf32, #tpu.memory_space<vmem>>
      %dma_wait3A_342 = tpu.memref_squeeze %dma_wait3A_341 : memref<1x512x32xf32, #tpu.memory_space<vmem>> -> memref<512x32xf32, #tpu.memory_space<vmem>>
      %dma_wait3A_343 = arith.constant 0 : i32
      %dma_wait3A_344 = arith.constant 0 : i32
      %dma_wait3A_345 = tpu.memref_slice %arg3[%dma_wait3A_343, %dma_wait3A_344] : memref<1000001x32xf32, #tpu.memory_space<hbm>> -> memref<512x32xf32, #tpu.memory_space<hbm>>
      %dma_wait3A_346 = tpu.memref_slice %arg7[%dma_wait3A_338] : memref<5x!tpu.dma_semaphore, #tpu.memory_space<semaphore_mem>> -> memref<1x!tpu.dma_semaphore, #tpu.memory_space<semaphore_mem>>
      %dma_wait3A_347 = tpu.memref_squeeze %dma_wait3A_346 : memref<1x!tpu.dma_semaphore, #tpu.memory_space<semaphore_mem>> -> memref<!tpu.dma_semaphore, #tpu.memory_space<semaphore_mem>>
      %dma_wait3A_348 = arith.constant 0 : i32
      %dma_wait3A_349 = arith.constant 0 : i32
      %dma_wait3A_350 = tpu.memref_slice %arg6[%dma_wait3A_337, %dma_wait3A_348, %dma_wait3A_349] : memref<5x512x32xf32, #tpu.memory_space<vmem>> -> memref<1x512x32xf32, #tpu.memory_space<vmem>>
      %dma_wait3A_351 = tpu.memref_squeeze %dma_wait3A_350 : memref<1x512x32xf32, #tpu.memory_space<vmem>> -> memref<512x32xf32, #tpu.memory_space<vmem>>
      %dma_wait3A_352 = arith.constant 0 : i32
      %dma_wait3A_353 = arith.constant 0 : i32
      %dma_wait3A_354 = tpu.memref_slice %arg3[%dma_wait3A_352, %dma_wait3A_353] : memref<1000001x32xf32, #tpu.memory_space<hbm>> -> memref<512x32xf32, #tpu.memory_space<hbm>>
      tpu.wait_dma2 semaphore(%dma_wait3A_347 : memref<!tpu.dma_semaphore, #tpu.memory_space<semaphore_mem>>) src(%dma_wait3A_354 : memref<512x32xf32, #tpu.memory_space<hbm>>) dst(%dma_wait3A_351 : memref<512x32xf32, #tpu.memory_space<vmem>>)
      %mul3A_355 = arith.constant 512 : i32
      %mul3A_356 = arith.muli %add3A_336, %mul3A_355 : i32
      %add3A_357 = arith.addi %mul3A_2, %mul3A_356 : i32
      %dma_start3A_358 = arith.constant 4 : i32
      %dma_start3A_359 = arith.constant 4 : i32
      %dma_start3A_360 = arith.constant 0 : i32
      %dma_start3A_361 = arith.constant 0 : i32
      %dma_start3A_362 = tpu.memref_slice %arg6[%dma_start3A_358, %dma_start3A_360, %dma_start3A_361] : memref<5x512x32xf32, #tpu.memory_space<vmem>> -> memref<1x512x32xf32, #tpu.memory_space<vmem>>
      %dma_start3A_363 = tpu.memref_squeeze %dma_start3A_362 : memref<1x512x32xf32, #tpu.memory_space<vmem>> -> memref<512x32xf32, #tpu.memory_space<vmem>>
      %dma_start3A_364 = arith.constant 0 : i32
      %dma_start3A_365 = tpu.memref_slice %arg4[%add3A_357, %dma_start3A_364] : memref<819200x32xf32, #tpu.memory_space<hbm>> -> memref<512x32xf32, #tpu.memory_space<hbm>>
      %dma_start3A_366 = tpu.memref_slice %arg8[%dma_start3A_359] : memref<5x!tpu.dma_semaphore, #tpu.memory_space<semaphore_mem>> -> memref<1x!tpu.dma_semaphore, #tpu.memory_space<semaphore_mem>>
      %dma_start3A_367 = tpu.memref_squeeze %dma_start3A_366 : memref<1x!tpu.dma_semaphore, #tpu.memory_space<semaphore_mem>> -> memref<!tpu.dma_semaphore, #tpu.memory_space<semaphore_mem>>
      %dma_start3A_368 = arith.constant 0 : i32
      %dma_start3A_369 = tpu.memref_slice %arg4[%add3A_357, %dma_start3A_368] : memref<819200x32xf32, #tpu.memory_space<hbm>> -> memref<512x32xf32, #tpu.memory_space<hbm>>
      %dma_start3A_370 = arith.constant 0 : i32
      %dma_start3A_371 = arith.constant 0 : i32
      %dma_start3A_372 = tpu.memref_slice %arg6[%dma_start3A_358, %dma_start3A_370, %dma_start3A_371] : memref<5x512x32xf32, #tpu.memory_space<vmem>> -> memref<1x512x32xf32, #tpu.memory_space<vmem>>
      %dma_start3A_373 = tpu.memref_squeeze %dma_start3A_372 : memref<1x512x32xf32, #tpu.memory_space<vmem>> -> memref<512x32xf32, #tpu.memory_space<vmem>>
      tpu.enqueue_dma source(%dma_start3A_373 : memref<512x32xf32, #tpu.memory_space<vmem>>) target(%dma_start3A_369 : memref<512x32xf32, #tpu.memory_space<hbm>>) target_semaphore(%dma_start3A_367 : memref<!tpu.dma_semaphore, #tpu.memory_space<semaphore_mem>>)
      %lt3A_374 = arith.constant 9 : i32
      %lt3A_375 = arith.cmpi slt, %scan3A_151, %lt3A_374 : i32
      %convert_element_type3A_376 = arith.extui %lt3A_375 : i1 to i32
      %cond3A_377 = arith.constant 0 : i32
      %cond3A_378 = arith.cmpi ne, %convert_element_type3A_376, %cond3A_377 : i32
      scf.if %cond3A_378 {
        %dma_wait3A_379 = arith.constant 4 : i32
        %dma_wait3A_380 = arith.constant 4 : i32
        %dma_wait3A_381 = arith.constant 0 : i32
        %dma_wait3A_382 = arith.constant 0 : i32
        %dma_wait3A_383 = tpu.memref_slice %arg6[%dma_wait3A_379, %dma_wait3A_381, %dma_wait3A_382] : memref<5x512x32xf32, #tpu.memory_space<vmem>> -> memref<1x512x32xf32, #tpu.memory_space<vmem>>
        %dma_wait3A_384 = tpu.memref_squeeze %dma_wait3A_383 : memref<1x512x32xf32, #tpu.memory_space<vmem>> -> memref<512x32xf32, #tpu.memory_space<vmem>>
        %dma_wait3A_385 = arith.constant 0 : i32
        %dma_wait3A_386 = tpu.memref_slice %arg4[%mul3A_2, %dma_wait3A_385] : memref<819200x32xf32, #tpu.memory_space<hbm>> -> memref<512x32xf32, #tpu.memory_space<hbm>>
        %dma_wait3A_387 = tpu.memref_slice %arg8[%dma_wait3A_380] : memref<5x!tpu.dma_semaphore, #tpu.memory_space<semaphore_mem>> -> memref<1x!tpu.dma_semaphore, #tpu.memory_space<semaphore_mem>>
        %dma_wait3A_388 = tpu.memref_squeeze %dma_wait3A_387 : memref<1x!tpu.dma_semaphore, #tpu.memory_space<semaphore_mem>> -> memref<!tpu.dma_semaphore, #tpu.memory_space<semaphore_mem>>
        %dma_wait3A_389 = arith.constant 0 : i32
        %dma_wait3A_390 = tpu.memref_slice %arg4[%mul3A_2, %dma_wait3A_389] : memref<819200x32xf32, #tpu.memory_space<hbm>> -> memref<512x32xf32, #tpu.memory_space<hbm>>
        %dma_wait3A_391 = arith.constant 0 : i32
        %dma_wait3A_392 = arith.constant 0 : i32
        %dma_wait3A_393 = tpu.memref_slice %arg6[%dma_wait3A_379, %dma_wait3A_391, %dma_wait3A_392] : memref<5x512x32xf32, #tpu.memory_space<vmem>> -> memref<1x512x32xf32, #tpu.memory_space<vmem>>
        %dma_wait3A_394 = tpu.memref_squeeze %dma_wait3A_393 : memref<1x512x32xf32, #tpu.memory_space<vmem>> -> memref<512x32xf32, #tpu.memory_space<vmem>>
        tpu.wait_dma2 semaphore(%dma_wait3A_388 : memref<!tpu.dma_semaphore, #tpu.memory_space<semaphore_mem>>) src(%dma_wait3A_394 : memref<512x32xf32, #tpu.memory_space<vmem>>) dst(%dma_wait3A_390 : memref<512x32xf32, #tpu.memory_space<hbm>>)
        %add3A_395 = arith.constant 5 : i32
        %add3A_396 = arith.addi %add3A_336, %add3A_395 : i32
        %mul3A_397 = arith.constant 512 : i32
        %mul3A_398 = arith.muli %add3A_396, %mul3A_397 : i32
        %dma_start3A_399 = arith.constant 4 : i32
        %dma_start3A_400 = arith.constant 4 : i32
        %dma_start3A_401 = arith.constant 0 : i32
        %dma_start3A_402 = arith.constant 0 : i32
        %dma_start3A_403 = tpu.memref_slice %arg6[%dma_start3A_399, %dma_start3A_401, %dma_start3A_402] : memref<5x512x32xf32, #tpu.memory_space<vmem>> -> memref<1x512x32xf32, #tpu.memory_space<vmem>>
        %dma_start3A_404 = tpu.memref_squeeze %dma_start3A_403 : memref<1x512x32xf32, #tpu.memory_space<vmem>> -> memref<512x32xf32, #tpu.memory_space<vmem>>
        %dma_start3A_405 = tpu.memref_slice %arg5[%mul3A_398] : memref<25600xi32, #tpu.memory_space<vmem>> -> memref<512xi32, #tpu.memory_space<vmem>>
        %dma_start3A_406 = arith.constant 0 : i32
        %dma_start3A_407 = arith.constant 0 : i32
        %dma_start3A_408 = tpu.memref_slice %arg3[%dma_start3A_406, %dma_start3A_407] : memref<1000001x32xf32, #tpu.memory_space<hbm>> -> memref<1000001x32xf32, #tpu.memory_space<hbm>>
        %dma_start3A_409 = tpu.memref_slice %arg7[%dma_start3A_400] : memref<5x!tpu.dma_semaphore, #tpu.memory_space<semaphore_mem>> -> memref<1x!tpu.dma_semaphore, #tpu.memory_space<semaphore_mem>>
        %dma_start3A_410 = tpu.memref_squeeze %dma_start3A_409 : memref<1x!tpu.dma_semaphore, #tpu.memory_space<semaphore_mem>> -> memref<!tpu.dma_semaphore, #tpu.memory_space<semaphore_mem>>
        tpu.enqueue_indirect_dma source(%dma_start3A_408 : memref<1000001x32xf32, #tpu.memory_space<hbm>>) target(%dma_start3A_404 : memref<512x32xf32, #tpu.memory_space<vmem>>) offsets(%dma_start3A_405 : memref<512xi32, #tpu.memory_space<vmem>>) semaphore(%dma_start3A_410 : memref<!tpu.dma_semaphore, #tpu.memory_space<semaphore_mem>>)
      } else {
      }
    }
    %scan3A_71 = arith.constant 10 : i32
    %dma_wait3A = arith.constant 0 : i32
    %dma_wait3A_72 = arith.constant 0 : i32
    %dma_wait3A_73 = arith.constant 0 : i32
    %dma_wait3A_74 = arith.constant 0 : i32
    %dma_wait3A_75 = tpu.memref_slice %arg6[%dma_wait3A, %dma_wait3A_73, %dma_wait3A_74] : memref<5x512x32xf32, #tpu.memory_space<vmem>> -> memref<1x512x32xf32, #tpu.memory_space<vmem>>
    %dma_wait3A_76 = tpu.memref_squeeze %dma_wait3A_75 : memref<1x512x32xf32, #tpu.memory_space<vmem>> -> memref<512x32xf32, #tpu.memory_space<vmem>>
    %dma_wait3A_77 = arith.constant 0 : i32
    %dma_wait3A_78 = tpu.memref_slice %arg4[%mul3A_2, %dma_wait3A_77] : memref<819200x32xf32, #tpu.memory_space<hbm>> -> memref<512x32xf32, #tpu.memory_space<hbm>>
    %dma_wait3A_79 = tpu.memref_slice %arg8[%dma_wait3A_72] : memref<5x!tpu.dma_semaphore, #tpu.memory_space<semaphore_mem>> -> memref<1x!tpu.dma_semaphore, #tpu.memory_space<semaphore_mem>>
    %dma_wait3A_80 = tpu.memref_squeeze %dma_wait3A_79 : memref<1x!tpu.dma_semaphore, #tpu.memory_space<semaphore_mem>> -> memref<!tpu.dma_semaphore, #tpu.memory_space<semaphore_mem>>
    %dma_wait3A_81 = arith.constant 0 : i32
    %dma_wait3A_82 = tpu.memref_slice %arg4[%mul3A_2, %dma_wait3A_81] : memref<819200x32xf32, #tpu.memory_space<hbm>> -> memref<512x32xf32, #tpu.memory_space<hbm>>
    %dma_wait3A_83 = arith.constant 0 : i32
    %dma_wait3A_84 = arith.constant 0 : i32
    %dma_wait3A_85 = tpu.memref_slice %arg6[%dma_wait3A, %dma_wait3A_83, %dma_wait3A_84] : memref<5x512x32xf32, #tpu.memory_space<vmem>> -> memref<1x512x32xf32, #tpu.memory_space<vmem>>
    %dma_wait3A_86 = tpu.memref_squeeze %dma_wait3A_85 : memref<1x512x32xf32, #tpu.memory_space<vmem>> -> memref<512x32xf32, #tpu.memory_space<vmem>>
    tpu.wait_dma2 semaphore(%dma_wait3A_80 : memref<!tpu.dma_semaphore, #tpu.memory_space<semaphore_mem>>) src(%dma_wait3A_86 : memref<512x32xf32, #tpu.memory_space<vmem>>) dst(%dma_wait3A_82 : memref<512x32xf32, #tpu.memory_space<hbm>>)
    %dma_wait3A_87 = arith.constant 1 : i32
    %dma_wait3A_88 = arith.constant 1 : i32
    %dma_wait3A_89 = arith.constant 0 : i32
    %dma_wait3A_90 = arith.constant 0 : i32
    %dma_wait3A_91 = tpu.memref_slice %arg6[%dma_wait3A_87, %dma_wait3A_89, %dma_wait3A_90] : memref<5x512x32xf32, #tpu.memory_space<vmem>> -> memref<1x512x32xf32, #tpu.memory_space<vmem>>
    %dma_wait3A_92 = tpu.memref_squeeze %dma_wait3A_91 : memref<1x512x32xf32, #tpu.memory_space<vmem>> -> memref<512x32xf32, #tpu.memory_space<vmem>>
    %dma_wait3A_93 = arith.constant 0 : i32
    %dma_wait3A_94 = tpu.memref_slice %arg4[%mul3A_2, %dma_wait3A_93] : memref<819200x32xf32, #tpu.memory_space<hbm>> -> memref<512x32xf32, #tpu.memory_space<hbm>>
    %dma_wait3A_95 = tpu.memref_slice %arg8[%dma_wait3A_88] : memref<5x!tpu.dma_semaphore, #tpu.memory_space<semaphore_mem>> -> memref<1x!tpu.dma_semaphore, #tpu.memory_space<semaphore_mem>>
    %dma_wait3A_96 = tpu.memref_squeeze %dma_wait3A_95 : memref<1x!tpu.dma_semaphore, #tpu.memory_space<semaphore_mem>> -> memref<!tpu.dma_semaphore, #tpu.memory_space<semaphore_mem>>
    %dma_wait3A_97 = arith.constant 0 : i32
    %dma_wait3A_98 = tpu.memref_slice %arg4[%mul3A_2, %dma_wait3A_97] : memref<819200x32xf32, #tpu.memory_space<hbm>> -> memref<512x32xf32, #tpu.memory_space<hbm>>
    %dma_wait3A_99 = arith.constant 0 : i32
    %dma_wait3A_100 = arith.constant 0 : i32
    %dma_wait3A_101 = tpu.memref_slice %arg6[%dma_wait3A_87, %dma_wait3A_99, %dma_wait3A_100] : memref<5x512x32xf32, #tpu.memory_space<vmem>> -> memref<1x512x32xf32, #tpu.memory_space<vmem>>
    %dma_wait3A_102 = tpu.memref_squeeze %dma_wait3A_101 : memref<1x512x32xf32, #tpu.memory_space<vmem>> -> memref<512x32xf32, #tpu.memory_space<vmem>>
    tpu.wait_dma2 semaphore(%dma_wait3A_96 : memref<!tpu.dma_semaphore, #tpu.memory_space<semaphore_mem>>) src(%dma_wait3A_102 : memref<512x32xf32, #tpu.memory_space<vmem>>) dst(%dma_wait3A_98 : memref<512x32xf32, #tpu.memory_space<hbm>>)
    %dma_wait3A_103 = arith.constant 2 : i32
    %dma_wait3A_104 = arith.constant 2 : i32
    %dma_wait3A_105 = arith.constant 0 : i32
    %dma_wait3A_106 = arith.constant 0 : i32
    %dma_wait3A_107 = tpu.memref_slice %arg6[%dma_wait3A_103, %dma_wait3A_105, %dma_wait3A_106] : memref<5x512x32xf32, #tpu.memory_space<vmem>> -> memref<1x512x32xf32, #tpu.memory_space<vmem>>
    %dma_wait3A_108 = tpu.memref_squeeze %dma_wait3A_107 : memref<1x512x32xf32, #tpu.memory_space<vmem>> -> memref<512x32xf32, #tpu.memory_space<vmem>>
    %dma_wait3A_109 = arith.constant 0 : i32
    %dma_wait3A_110 = tpu.memref_slice %arg4[%mul3A_2, %dma_wait3A_109] : memref<819200x32xf32, #tpu.memory_space<hbm>> -> memref<512x32xf32, #tpu.memory_space<hbm>>
    %dma_wait3A_111 = tpu.memref_slice %arg8[%dma_wait3A_104] : memref<5x!tpu.dma_semaphore, #tpu.memory_space<semaphore_mem>> -> memref<1x!tpu.dma_semaphore, #tpu.memory_space<semaphore_mem>>
    %dma_wait3A_112 = tpu.memref_squeeze %dma_wait3A_111 : memref<1x!tpu.dma_semaphore, #tpu.memory_space<semaphore_mem>> -> memref<!tpu.dma_semaphore, #tpu.memory_space<semaphore_mem>>
    %dma_wait3A_113 = arith.constant 0 : i32
    %dma_wait3A_114 = tpu.memref_slice %arg4[%mul3A_2, %dma_wait3A_113] : memref<819200x32xf32, #tpu.memory_space<hbm>> -> memref<512x32xf32, #tpu.memory_space<hbm>>
    %dma_wait3A_115 = arith.constant 0 : i32
    %dma_wait3A_116 = arith.constant 0 : i32
    %dma_wait3A_117 = tpu.memref_slice %arg6[%dma_wait3A_103, %dma_wait3A_115, %dma_wait3A_116] : memref<5x512x32xf32, #tpu.memory_space<vmem>> -> memref<1x512x32xf32, #tpu.memory_space<vmem>>
    %dma_wait3A_118 = tpu.memref_squeeze %dma_wait3A_117 : memref<1x512x32xf32, #tpu.memory_space<vmem>> -> memref<512x32xf32, #tpu.memory_space<vmem>>
    tpu.wait_dma2 semaphore(%dma_wait3A_112 : memref<!tpu.dma_semaphore, #tpu.memory_space<semaphore_mem>>) src(%dma_wait3A_118 : memref<512x32xf32, #tpu.memory_space<vmem>>) dst(%dma_wait3A_114 : memref<512x32xf32, #tpu.memory_space<hbm>>)
    %dma_wait3A_119 = arith.constant 3 : i32
    %dma_wait3A_120 = arith.constant 3 : i32
    %dma_wait3A_121 = arith.constant 0 : i32
    %dma_wait3A_122 = arith.constant 0 : i32
    %dma_wait3A_123 = tpu.memref_slice %arg6[%dma_wait3A_119, %dma_wait3A_121, %dma_wait3A_122] : memref<5x512x32xf32, #tpu.memory_space<vmem>> -> memref<1x512x32xf32, #tpu.memory_space<vmem>>
    %dma_wait3A_124 = tpu.memref_squeeze %dma_wait3A_123 : memref<1x512x32xf32, #tpu.memory_space<vmem>> -> memref<512x32xf32, #tpu.memory_space<vmem>>
    %dma_wait3A_125 = arith.constant 0 : i32
    %dma_wait3A_126 = tpu.memref_slice %arg4[%mul3A_2, %dma_wait3A_125] : memref<819200x32xf32, #tpu.memory_space<hbm>> -> memref<512x32xf32, #tpu.memory_space<hbm>>
    %dma_wait3A_127 = tpu.memref_slice %arg8[%dma_wait3A_120] : memref<5x!tpu.dma_semaphore, #tpu.memory_space<semaphore_mem>> -> memref<1x!tpu.dma_semaphore, #tpu.memory_space<semaphore_mem>>
    %dma_wait3A_128 = tpu.memref_squeeze %dma_wait3A_127 : memref<1x!tpu.dma_semaphore, #tpu.memory_space<semaphore_mem>> -> memref<!tpu.dma_semaphore, #tpu.memory_space<semaphore_mem>>
    %dma_wait3A_129 = arith.constant 0 : i32
    %dma_wait3A_130 = tpu.memref_slice %arg4[%mul3A_2, %dma_wait3A_129] : memref<819200x32xf32, #tpu.memory_space<hbm>> -> memref<512x32xf32, #tpu.memory_space<hbm>>
    %dma_wait3A_131 = arith.constant 0 : i32
    %dma_wait3A_132 = arith.constant 0 : i32
    %dma_wait3A_133 = tpu.memref_slice %arg6[%dma_wait3A_119, %dma_wait3A_131, %dma_wait3A_132] : memref<5x512x32xf32, #tpu.memory_space<vmem>> -> memref<1x512x32xf32, #tpu.memory_space<vmem>>
    %dma_wait3A_134 = tpu.memref_squeeze %dma_wait3A_133 : memref<1x512x32xf32, #tpu.memory_space<vmem>> -> memref<512x32xf32, #tpu.memory_space<vmem>>
    tpu.wait_dma2 semaphore(%dma_wait3A_128 : memref<!tpu.dma_semaphore, #tpu.memory_space<semaphore_mem>>) src(%dma_wait3A_134 : memref<512x32xf32, #tpu.memory_space<vmem>>) dst(%dma_wait3A_130 : memref<512x32xf32, #tpu.memory_space<hbm>>)
    %dma_wait3A_135 = arith.constant 4 : i32
    %dma_wait3A_136 = arith.constant 4 : i32
    %dma_wait3A_137 = arith.constant 0 : i32
    %dma_wait3A_138 = arith.constant 0 : i32
    %dma_wait3A_139 = tpu.memref_slice %arg6[%dma_wait3A_135, %dma_wait3A_137, %dma_wait3A_138] : memref<5x512x32xf32, #tpu.memory_space<vmem>> -> memref<1x512x32xf32, #tpu.memory_space<vmem>>
    %dma_wait3A_140 = tpu.memref_squeeze %dma_wait3A_139 : memref<1x512x32xf32, #tpu.memory_space<vmem>> -> memref<512x32xf32, #tpu.memory_space<vmem>>
    %dma_wait3A_141 = arith.constant 0 : i32
    %dma_wait3A_142 = tpu.memref_slice %arg4[%mul3A_2, %dma_wait3A_141] : memref<819200x32xf32, #tpu.memory_space<hbm>> -> memref<512x32xf32, #tpu.memory_space<hbm>>
    %dma_wait3A_143 = tpu.memref_slice %arg8[%dma_wait3A_136] : memref<5x!tpu.dma_semaphore, #tpu.memory_space<semaphore_mem>> -> memref<1x!tpu.dma_semaphore, #tpu.memory_space<semaphore_mem>>
    %dma_wait3A_144 = tpu.memref_squeeze %dma_wait3A_143 : memref<1x!tpu.dma_semaphore, #tpu.memory_space<semaphore_mem>> -> memref<!tpu.dma_semaphore, #tpu.memory_space<semaphore_mem>>
    %dma_wait3A_145 = arith.constant 0 : i32
    %dma_wait3A_146 = tpu.memref_slice %arg4[%mul3A_2, %dma_wait3A_145] : memref<819200x32xf32, #tpu.memory_space<hbm>> -> memref<512x32xf32, #tpu.memory_space<hbm>>
    %dma_wait3A_147 = arith.constant 0 : i32
    %dma_wait3A_148 = arith.constant 0 : i32
    %dma_wait3A_149 = tpu.memref_slice %arg6[%dma_wait3A_135, %dma_wait3A_147, %dma_wait3A_148] : memref<5x512x32xf32, #tpu.memory_space<vmem>> -> memref<1x512x32xf32, #tpu.memory_space<vmem>>
    %dma_wait3A_150 = tpu.memref_squeeze %dma_wait3A_149 : memref<1x512x32xf32, #tpu.memory_space<vmem>> -> memref<512x32xf32, #tpu.memory_space<vmem>>
    tpu.wait_dma2 semaphore(%dma_wait3A_144 : memref<!tpu.dma_semaphore, #tpu.memory_space<semaphore_mem>>) src(%dma_wait3A_150 : memref<512x32xf32, #tpu.memory_space<vmem>>) dst(%dma_wait3A_146 : memref<512x32xf32, #tpu.memory_space<hbm>>)
    return
  }
}

</mosaic_0001>

<sc_bundles>
// kernel: kernel.3.cloned.1.call-start
scs
__scs_entry_jumppad:
0x0: {  	(pc) =	sbr.rel $0x88, $3  }
0x1: {  	(tag) =	ssettag $0x0;
	lr =	simm.s32 $0x1  }
0x2: {  	[smem:$0x3F9F] =	sst lr;
	_ =	strace $0xD0000000  }
0x3: {  	_ = 	snop  }
0x4: {  	_ = 	snop  }
0x5: {  	_ = 	snop  }
0x6: {  	_ = 	snop  }
0x7: {  	_ = 	snop  }
__scs_overlays_trampoline_lowered:
0x8: {  	[smem:$0x3FAE] =	sst s0  }
0x9: {  	[smem:$0x3FAF] =	sst s1  }
0xa: {  	[smem:$0x3FB0] =	sst s2  }
0xb: {  	[smem:$0x3FB1] =	sst s3  }
0xc: {  	[smem:$0x3FB2] =	sst s4  }
0xd: {  	[smem:$0x3FB3] =	sst s5  }
0xe: {  	[smem:$0x3FB4] =	sst s6  }
0xf: {  	[smem:$0x3FB5] =	sst s7  }
0x10: {  	[smem:$0x3FB6] =	sst s8  }
0x11: {  	[smem:$0x3FB7] =	sst s9;
	s0 =	simm.s32 @!p0 $0x0  }
0x12: {  	s1 =	sld [smem:$0x3F9D];
	s0 =	simm.s32 @p0 $0x1  }
0x13: {  	[smem:$0x3FB8] =	sst s0;
	s0 =	simm.s32 @!p1 $0x0  }
0x14: {  	s2 =	sld [smem:$0x3F9C];
	s0 =	simm.s32 @p1 $0x1  }
0x15: {  	[smem:$0x3FB9] =	sst s0;
	s0 =	simm.s32 @!p2 $0x0  }
0x16: {  	s3 =	sld [smem:$0x3FDB];
	s0 =	simm.s32 @p2 $0x1  }
0x17: {  	s4 =	simm.s32 $0x1BF5;
	[smem:$0x3FBB] =	sst s0  }
0x18: {  	s0 =	sld [smem:$0x3F9E];
	_ =	swait.ge [sflag:s4], $0x0  }
0x19: {  	s7 =	sld [smem:$0x3F9F]  }
0x1a: {  	s8 =	sadd.s32 $0xFFFFE003, lr  }
0x1b: {  	s9 =	sadd.s32 $0xFFFFFEF7, lr;
	s5 =	simm.s32 $0xFFFFFFFF;
	p2 =	slt.u32 s8, $0xFFFFF086  }
0x1c: {  	p1 =	slt.u32 s9, $0xF7A;
	s5 =	simm.s32 @!p2 $0x0  }
0x1d: {  	s5 =	simm.s32 @p1 $0x1;
	p0 =	seq.s32 s7, s2  }
0x1e: {  	s7 =	smul.u32 @!p0 $0xF7A, s2;
	p2 =	seq.s32 @!p0 s5, $0x0  }
0x1f: {  	s9 =	smul.u32 $0xF7A, s1;
	s8 =	simm.s32 @!p0 $0x1BF5;
	p2 =	por !p2, p0  }
0x20: {  	[sflag:s8] =	ssyncset.s32 @!p0 $0xFFFFF086;
	s6 =	sadd.s32 @!p0 s3, s7;
	s7 =	simm.s32 @!p0 $0x108  }
0x21: {  	s3 =	sadd.s32 s3, s9;
	s6 =	sadd.s32 @!p0 $0x88, s6;
	s7 =	simm.s32 @p2 $0x1082  }
0x22: {  	[simem:s7], [sflag:s8] =	dma.local @!p0 [hbm:s6], $0xF7A  }
0x23: {  	s9 =	sor.u32 $0xD0000000, s2;
	s6 =	simm.s32 $0x108;
	_ =	swait.ge @!p0 [sflag:s8], $0x0  }
0x24: {  	s3 =	sadd.s32 $0x88, s3;
	s6 =	simm.s32 @!p1 $0x1082;
	[sflag:s4] =	ssyncset.s32 $0xFFFFF086  }
0x25: {  	[simem:s6], [sflag:s4] =	dma.local [hbm:s3], $0xF7A  }
0x26: {  	[smem:$0x3F9F] =	sst s1;
	(tag) =	ssettag s2;
	_ =	strace s9  }
0x27: {  	s1 =	sld [smem:$0x3FAF]  }
0x28: {  	s2 =	sld [smem:$0x3FB0]  }
0x29: {  	s4 =	sld [smem:$0x3FB2]  }
0x2a: {  	p0 =	seq.s32 s5, $0x0;
	s5 =	sld [smem:$0x3FB3]  }
0x2b: {  	s6 =	sld [smem:$0x3FB4]  }
0x2c: {  	s7 =	sld [smem:$0x3FB5]  }
0x2d: {  	s3 =	simm.s32 $0x108;
	s8 =	sld [smem:$0x3FB6]  }
0x2e: {  	s3 =	simm.s32 @!p0 $0x1082;
	s9 =	sld [smem:$0x3FB7]  }
0x2f: {  	lr =	sadd.s32 s0, s3;
	s0 =	sld [smem:$0x3FAE]  }
0x30: {  	s3 =	sld [smem:$0x3FB1]  }
0x31: {  	[smem:$0x3FBA] =	sst s10  }
0x32: {  	s10 =	sld [smem:$0x3FB8];
	_ =	sdelay $0x3  }
0x33: {  	p0 =	seq.s32 s10, $0x1;
	s10 =	sld [smem:$0x3FBA];
	_ =	sdelay $0x3  }
0x34: {  	[smem:$0x3FBA] =	sst s10  }
0x35: {  	s10 =	sld [smem:$0x3FB9];
	_ =	sdelay $0x3  }
0x36: {  	p1 =	seq.s32 s10, $0x1;
	s10 =	sld [smem:$0x3FBA];
	_ =	sdelay $0x3  }
0x37: {  	[smem:$0x3FBA] =	sst s10  }
0x38: {  	s10 =	sld [smem:$0x3FBB]  }
0x39: {  	_ = 	snop;
	(pc) =	sbr.ind lr, $3  }
0x3a: {  	_ = 	snop  }
0x3b: {  	_ = 	snop  }
0x3c: {  	p2 =	seq.s32 s10, $0x1;
	s10 =	sld [smem:$0x3FBA]  }
0x3d: {  	_ =	shalt  }
0x3e: {  	_ =	shalt  }
0x3f: {  	_ =	shalt  }
0x40: {  	_ =	shalt  }
0x41: {  	_ =	shalt  }
0x42: {  	_ =	shalt  }
0x43: {  	_ =	shalt  }
0x44: {  	_ =	shalt  }
0x45: {  	_ =	shalt  }
0x46: {  	_ =	shalt  }
0x47: {  	_ =	shalt  }
0x48: {  	_ =	shalt  }
0x49: {  	_ =	shalt  }
0x4a: {  	_ =	shalt  }
0x4b: {  	_ =	shalt  }
0x4c: {  	_ =	shalt  }
0x4d: {  	_ =	shalt  }
0x4e: {  	_ =	shalt  }
0x4f: {  	_ =	shalt  }
0x50: {  	_ =	shalt  }
0x51: {  	_ =	shalt  }
0x52: {  	_ =	shalt  }
0x53: {  	_ =	shalt  }
0x54: {  	_ =	shalt  }
0x55: {  	_ =	shalt  }
0x56: {  	_ =	shalt  }
0x57: {  	_ =	shalt  }
0x58: {  	_ =	shalt  }
0x59: {  	_ =	shalt  }
0x5a: {  	_ =	shalt  }
0x5b: {  	_ =	shalt  }
0x5c: {  	_ =	shalt  }
0x5d: {  	_ =	shalt  }
0x5e: {  	_ =	shalt  }
0x5f: {  	_ =	shalt  }
0x60: {  	_ =	shalt  }
0x61: {  	_ =	shalt  }
0x62: {  	_ =	shalt  }
0x63: {  	_ =	shalt  }
0x64: {  	_ =	shalt  }
0x65: {  	_ =	shalt  }
0x66: {  	_ =	shalt  }
0x67: {  	_ =	shalt  }
0x68: {  	_ =	shalt  }
0x69: {  	_ =	shalt  }
0x6a: {  	_ =	shalt  }
0x6b: {  	_ =	shalt  }
0x6c: {  	_ =	shalt  }
0x6d: {  	_ =	shalt  }
0x6e: {  	_ =	shalt  }
0x6f: {  	_ =	shalt  }
0x70: {  	_ =	shalt  }
0x71: {  	_ =	shalt  }
0x72: {  	_ =	shalt  }
0x73: {  	_ =	shalt  }
0x74: {  	_ =	shalt  }
0x75: {  	_ =	shalt  }
0x76: {  	_ =	shalt  }
0x77: {  	_ =	shalt  }
0x78: {  	_ =	shalt  }
0x79: {  	_ =	shalt  }
0x7a: {  	_ =	shalt  }
0x7b: {  	_ =	shalt  }
0x7c: {  	_ =	shalt  }
0x7d: {  	_ =	shalt  }
0x7e: {  	_ =	shalt  }
0x7f: {  	_ =	shalt  }
0x80: {  	_ =	shalt  }
0x81: {  	_ =	shalt  }
0x82: {  	_ =	shalt  }
0x83: {  	_ =	shalt  }
0x84: {  	_ =	shalt  }
0x85: {  	_ =	shalt  }
0x86: {  	_ =	shalt  }
0x87: {  	_ =	shalt  }
.Lfunc_end0:
.L_simem_size_0:
called_computation.1_lowered:
.L_overlay_start_0:
0x88: {  	s2 =	sld [smem:$0x3FD9]  }
0x89: {  	s3 =	sld [smem:$0x3FFE];
	_ =	sdelay $0x1  }
0x8a: {  	s1 =	srdreg.scid  }
0x8b: {  	s0 =	sand.u32 $0x1, s1  }
0x8c: {  	s17 =	sshll.u32 s0, $0xA;
	s2 =	sadd.s32 s3, s2  }
0x8d: {  	s2 =	sadd.s32 s2, s17  }
0x8e: {  	[smem:$0x3FC6] =	sst s2  }
0x8f: {  	_ = 	snop  }
0x90: {  	s2 =	sld [smem:$0x3FD0];
	(tm) =	ssettm $0x1  }
0x91: {  	s18 =	sld [smem:$0x3FFB];
	_ =	sdelay $0x3  }
0x92: {  	_ =	strace s18  }
0x93: {  	s3 =	sld [smem:$0x3FFC];
	_ =	sdelay $0x3  }
0x94: {  	_ =	strace s3  }
0x95: {  	s3 =	sld [smem:$0x3FFD];
	_ =	sdelay $0x3  }
0x96: {  	_ =	strace s3  }
0x97: {  	_ =	strace $0x8FFFFFFF  }
0x98: {  	s19 =	sld [smem:$0x3FDB];
	_ =	sdelay $0x1  }
0x99: {  	s4 =	simm.s32 $_scs_section_size  }
0x9a: {  	s5 =	simm.s32 $_size__tile_overlayer_lowered;
	s6 =	simm.s32 $_tile_overlayer_lowered  }
0x9b: {  	s22 =	simm.s32 $0x1BFF;
	s21 =	sshll.u32 s6, $0x1;
	s3 =	sadd.s32 s4, s19  }
0x9c: {  	s7 =	simm.s32 $0x0;
	s20 =	sshll.u32 s5, $0x1;
	s5 =	sadd.s32 s21, s3  }
0x9d: {  	[timem:s7], [sflag:s22] =	dma.local [hbm:s5], s20  }
0x9e: {  	_ =	swait.ge [sflag:s22], s20  }
0x9f: {  	s4 =	ssub.s32 $0x0, s20;
	[sflag:s22] =	ssyncset.done $0x0  }
0xa0: {  	[sflag:s22] =	ssyncadd.s32 s4;
	_ =	sdelay $0x1  }
0xa1: {  	s23 =	simm.s32 $0x1B8B  }
0xa2: {  	_ =	swait.ge [sflag:s23], $0x1  }
0xa3: {  	[sflag:s23] =	ssyncset.done $0x0  }
0xa4: {  	s25 =	simm.s32 $0x1B8E;
	s24 =	sld [smem:$0x3FFE];
	[sflag:s23] =	ssyncadd.s32 $0xFFFFFFFF  }
0xa5: {  	s26 =	simm.s32 $execute0_lowered;
	[smem:$0x3FD2] =	sst s25  }
0xa6: {  	s5 =	sshll.u32 s26, $0x1;
	_ =	strace $0x80000046;
	[dreg:$0x1] =	wrdreg $0xFFFFFFFF  }
0xa7: {  	s28 =	simm.s32 $_size_execute0_lowered;
	s3 =	sadd.s32 s3, s5;
	[dreg:$0x0] =	wrdreg $0x0  }
0xa8: {  	s5 =	sshll.u32 s28, $0x1;
	[dreg:$0x2] =	wrdreg s3  }
0xa9: {  	[dreg:$0x3] =	wrdreg s5  }
0xaa: {  	[dreg:$0x4] =	wrdreg $0xC0  }
0xab: {  	_ =	task [dreg:s7], $0x5FFFF  }
0xac: {  	[dreg:$0x1] =	wrdreg $0xFFFFFFFF  }
0xad: {  	[dreg:$0x0] =	wrdreg $0x60  }
0xae: {  	[dreg:$0x2] =	wrdreg s24  }
0xaf: {  	[dreg:$0x3] =	wrdreg s2  }
0xb0: {  	[dreg:$0x4] =	wrdreg $0x9  }
0xb1: {  	_ =	task.clear_ibuf [dreg:s7], $0x5FFFF;
	_ =	strace $0x90000046  }
0xb2: {  	s29 =	simm.s32 $0x9;
	_ =	strace $0x80000048  }
0xb3: {  	_ =	swait.ge [sflag:s29], $0x1  }
0xb4: {  	[sflag:s29] =	ssyncadd.s32 $0xFFFFFFFF  }
0xb5: {  	_ =	strace $0x90000048  }
0xb6: {  	_ =	sfence  }
0xb7: {  	s30 =	sld [smem:$0x0];
	_ =	sdelay $0x2  }
0xb8: {  	s31 =	sshll.u32 s1, $0xD;
	s1 =	sshrl.u32 s1, $0x2  }
0xb9: {  	s3 =	sand.u32 $0x4000, s31;
	s1 =	sadd.s32 s1, s30  }
0xba: {  	s0 =	sor.u32 s3, s0;
	s1 =	sshll.u32 s1, $0x11  }
0xbb: {  	s0 =	sor.u32 s1, s0  }
0xbc: {  	s0 =	sadd.s32 $0x8F2B, s0  }
0xbd: {  	[sflag:s0] =	ssyncadd.remote.s32 $0x1  }
0xbe: {  	_ =	sfence.sel $0xFFFF  }
0xbf: {  	[dreg:$0x0] =	wrdreg $0xFFFFFFFF;
	(pc) =	sbr.abs _section_cstart, $3  }
0xc0: {  	[dreg:$0x1] =	wrdreg $0xFFFFFFFF  }
0xc1: {  	_ =	task.clear_ibuf [dreg:s7], $0x2FFFF;
	_ =	strace $0x9FFFFFFF  }
0xc2: {  	(tm) =	ssettm $0x7FFFFFFF  }
0xc3: {  	_ =	shalt  }
tec
execute0_lowered:
.L_overlay_start_1:
0x0: {  	(tag) =	ssettag $0x1  }
0x1: {  	s0 =	srdreg.scid;
	s1 =	rddreg [dreg:$0x0]  }
0x2: {  	s10 =	stileid.u32;
	s8 =	rddreg [dreg:$0x1]  }
0x3: {  	s11 =	simm.s32 $0xB;
	s12 =	simm.s32 $0x200;
	s13 =	simm.s32 $0x6400  }
0x4: {  	s14 =	simm.s32 $0xA400;
	s16 =	simm.s32 $0xE400;
	s18 =	simm.s32 $0x12400  }
0x5: {  	s20 =	simm.s32 $0x16400;
	s21 =	simm.s32 $0x1;
	s28 =	simm.s32 $0x7  }
0x6: {  	s29 =	simm.s32 $0x8;
	s30 =	simm.s32 $0x9;
	s4 =	smul.u32 $0xC800, s10  }
0x7: {  	s0 =	sand.u32 $0x1, s0;
	s2 =	sshll.u32 s10, $0x1;
	s25 =	smul.u32 $0x32000, s10  }
0x8: {  	s31 =	simm.s32 $0xA;
	s3 =	sor.u32 s0, s2;
	s6 =	smul.u32 $0x6400, s0  }
0x9: {  	s2 =	simm.s32 $0x0;
	s5 =	ssub.s32 $0x2, s0;
	s0 =	smul.u32 $0x19000, s0  }
0xa: {  	s3 =	smul.u32 $0x6400, s3;
	[smem:$0x7FF] =	sst s2;
	s9 =	sshrl.u32 s5, $0x1  }
0xb: {  	s10 =	sadd.s32 s25, s8;
	s25 =	simm.s32 $0x5;
	_ =	strace $0x80000047  }
0xc: {  	s22 =	ssub.s32 s5, s9;
	s23 =	sadd.s32 s6, s4;
	s10 =	sadd.s32 s0, s10  }
0xd: {  	s3 =	sshrl.u32 s3, $0x3;
	s6 =	sshll.u32 s23, $0x2;
	s5 =	smax.u32 s22, $0x1  }
.Ltmp0:
0xe: {  	s22 =	simm.s32 $0x2;
	s23 =	simm.s32 $0x3;
	(pc) =	sbr.rel .LBB2_1-.Ltmp0, $4  }
0xf: {  	s7 =	sadd.s32 s3, s1;
	s3 =	sadd.s32 $0xF43000, s1;
	s26 =	sadd.s32 s6, s8  }
0x10: {  	s1 =	simm.s32 $0x0;
	s24 =	sadd.s32 $0xA00, s7;
	s6 =	sadd.s32 $0x2000, s26  }
0x11: {  	s7 =	sadd.s32 $0x1800, s26;
	s8 =	sadd.s32 $0x1000, s26;
	s9 =	sadd.s32 $0x800, s26  }
0x12: {  	s26 =	simm.s32 $0x6;
	[dreg:$0x3] =	wrdreg s24;
	s24 =	simm.s32 $0x4  }
.LBB2_4:
0x13: {  	_ =	swait.ge [sflag:s26], $0x4000  }
0x14: {  	[sflag:s26] =	ssyncset.done $0x0  }
0x15: {  	[sflag:s26] =	ssyncadd.s32 $0xFFFFC000  }
0x16: {  	_ =	swait.ge [sflag:s28], $0x4000  }
0x17: {  	[sflag:s28] =	ssyncset.done $0x0  }
0x18: {  	[sflag:s28] =	ssyncadd.s32 $0xFFFFC000  }
0x19: {  	_ =	swait.ge [sflag:s29], $0x4000  }
0x1a: {  	[sflag:s29] =	ssyncset.done $0x0  }
0x1b: {  	s1 =	sadd.s32 $0x1, s1;
	[sflag:s29] =	ssyncadd.s32 $0xFFFFC000  }
0x1c: {  	p0 =	sne.s32 s1, s5;
	_ =	swait.ge [sflag:s30], $0x4000  }
.Ltmp1:
0x1d: {  	[sflag:s30] =	ssyncset.done $0x0;
	(pc) =	sbr.rel @!p0 .LBB2_5-.Ltmp1, $4  }
0x1e: {  	[sflag:s30] =	ssyncadd.s32 $0xFFFFC000  }
0x1f: {  	_ =	swait.ge [sflag:s31], $0x4000  }
0x20: {  	[sflag:s31] =	ssyncset.done $0x0  }
0x21: {  	[sflag:s31] =	ssyncadd.s32 $0xFFFFC000  }
.LBB2_1:
0x22: {  	s0 =	rddreg [dreg:$0x3]  }
0x23: {  	[tilespmem:s2], [sflag:$0xB] =	stream.linear.gather [hbm4b:s0+s2], $0x6400, $0x38;
	[tilespmem:$0x1A400] =	vst v63  }
0x24: {  	_ =	swait.ge [sflag:s11], $0x6400  }
0x25: {  	[sflag:s11] =	ssyncset.done $0x0  }
0x26: {  	[sflag:s11] =	ssyncadd.s32 $0xFFFF9C00  }
0x27: {  	[tilespmem:s13], [sflag:$0x1] =	stream.indirect.gather [hbm4b:s3+s12], $0x20, s2, s12, $0xb8;
	[tilespmem:$0x1A400] =	vst v63  }
0x28: {  	_ = 	snop  }
0x29: {  	[tilespmem:s14], [sflag:$0x2] =	stream.indirect.gather [hbm4b:s3+s12], $0x20, s12, s12, $0xb8;
	[tilespmem:$0x1A400] =	vst v63  }
0x2a: {  	s15 =	simm.s32 $0x400  }
0x2b: {  	[tilespmem:s16], [sflag:$0x3] =	stream.indirect.gather [hbm4b:s3+s12], $0x20, s15, s12, $0xb8;
	[tilespmem:$0x1A400] =	vst v63  }
0x2c: {  	s17 =	simm.s32 $0x600  }
0x2d: {  	[tilespmem:s18], [sflag:$0x4] =	stream.indirect.gather [hbm4b:s3+s12], $0x20, s17, s12, $0xb8;
	[tilespmem:$0x1A400] =	vst v63  }
0x2e: {  	s19 =	simm.s32 $0x800;
	s0 =	simm.s32 $0x0  }
0x2f: {  	[tilespmem:s20], [sflag:$0x5] =	stream.indirect.gather [hbm4b:s3+s12], $0x20, s19, s12, $0xb8;
	[tilespmem:$0x1A400] =	vst v63  }
.LBB2_2:
0x30: {  	_ =	swait.ge [sflag:s21], $0x4000  }
0x31: {  	[sflag:s21] =	ssyncset.done $0x0  }
0x32: {  	s15 =	sadd.s32 s0, s10;
	p0 =	seq.s32 s0, $0x16800;
	[sflag:s21] =	ssyncadd.s32 $0xFFFFC000  }
0x33: {  	[hbm4b:s15+s2] =	stream.linear.scatter [tilespmem:s13], [sflag:$0x6], $0x4000, $0x38;
	[tilespmem:$0x1A400] =	vst v63  }
0x34: {  	s15 =	simm.s32 @!p0 $0x6  }
0x35: {  	_ =	swait.ge @!p0 [sflag:s15], $0x4000  }
0x36: {  	[sflag:s15] =	ssyncset.done @!p0 $0x0  }
0x37: {  	[sflag:s15] =	ssyncadd.s32 @!p0 $0xFFFFC000;
	s15 =	sshra.s32 @!p0 s0, $0x2  }
0x38: {  	s19 =	simm.s32 @!p0 $0x200;
	s4 =	simm.s32 @!p0 $0x6400;
	s17 =	sadd.s32 @!p0 $0xA00, s15  }
0x39: {  	[tilespmem:s4], [sflag:$0x1] =	stream.indirect.gather @!p0 [hbm4b:s3+s19], $0x20, s17, s19, $0xb8;
	[tilespmem:$0x1A400] =	vst v63  }
0x3a: {  	_ =	swait.ge [sflag:s22], $0x4000  }
0x3b: {  	[sflag:s22] =	ssyncset.done $0x0  }
0x3c: {  	s17 =	sadd.s32 s0, s9;
	s4 =	simm.s32 @!p0 $0x7;
	[sflag:s22] =	ssyncadd.s32 $0xFFFFC000  }
0x3d: {  	[hbm4b:s17+s2] =	stream.linear.scatter [tilespmem:s14], [sflag:$0x7], $0x4000, $0x38;
	[tilespmem:$0x1A400] =	vst v63  }
0x3e: {  	_ =	swait.ge @!p0 [sflag:s4], $0x4000  }
0x3f: {  	[sflag:s4] =	ssyncset.done @!p0 $0x0  }
0x40: {  	s17 =	simm.s32 @!p0 $0xA400;
	[sflag:s4] =	ssyncadd.s32 @!p0 $0xFFFFC000;
	s4 =	sadd.s32 @!p0 $0xC00, s15  }
0x41: {  	[tilespmem:s17], [sflag:$0x2] =	stream.indirect.gather @!p0 [hbm4b:s3+s19], $0x20, s4, s19, $0xb8;
	[tilespmem:$0x1A400] =	vst v63  }
0x42: {  	_ =	swait.ge [sflag:s23], $0x4000  }
0x43: {  	[sflag:s23] =	ssyncset.done $0x0  }
0x44: {  	s17 =	sadd.s32 s0, s8;
	s4 =	simm.s32 @!p0 $0x8;
	[sflag:s23] =	ssyncadd.s32 $0xFFFFC000  }
0x45: {  	[hbm4b:s17+s2] =	stream.linear.scatter [tilespmem:s16], [sflag:$0x8], $0x4000, $0x38;
	[tilespmem:$0x1A400] =	vst v63  }
0x46: {  	_ =	swait.ge @!p0 [sflag:s4], $0x4000  }
0x47: {  	[sflag:s4] =	ssyncset.done @!p0 $0x0  }
0x48: {  	s17 =	simm.s32 @!p0 $0xE400;
	[sflag:s4] =	ssyncadd.s32 @!p0 $0xFFFFC000;
	s4 =	sadd.s32 @!p0 $0xE00, s15  }
0x49: {  	[tilespmem:s17], [sflag:$0x3] =	stream.indirect.gather @!p0 [hbm4b:s3+s19], $0x20, s4, s19, $0xb8;
	[tilespmem:$0x1A400] =	vst v63  }
0x4a: {  	_ =	swait.ge [sflag:s24], $0x4000  }
0x4b: {  	[sflag:s24] =	ssyncset.done $0x0  }
0x4c: {  	s17 =	sadd.s32 s0, s7;
	s4 =	simm.s32 @!p0 $0x9;
	[sflag:s24] =	ssyncadd.s32 $0xFFFFC000  }
0x4d: {  	[hbm4b:s17+s2] =	stream.linear.scatter [tilespmem:s18], [sflag:$0x9], $0x4000, $0x38;
	[tilespmem:$0x1A400] =	vst v63  }
0x4e: {  	_ =	swait.ge @!p0 [sflag:s4], $0x4000  }
0x4f: {  	[sflag:s4] =	ssyncset.done @!p0 $0x0  }
0x50: {  	[sflag:s4] =	ssyncadd.s32 @!p0 $0xFFFFC000;
	s4 =	sadd.s32 @!p0 $0x1000, s15;
	s15 =	simm.s32 @!p0 $0x12400  }
0x51: {  	[tilespmem:s15], [sflag:$0x4] =	stream.indirect.gather @!p0 [hbm4b:s3+s19], $0x20, s4, s19, $0xb8;
	[tilespmem:$0x1A400] =	vst v63  }
.Ltmp2:
0x52: {  	_ = 	snop;
	(pc) =	sbr.rel @p0 .LBB2_4-.Ltmp2, $4  }
0x53: {  	_ =	swait.ge [sflag:s25], $0x4000  }
0x54: {  	[sflag:s25] =	ssyncset.done $0x0  }
0x55: {  	s19 =	sadd.s32 s0, s6;
	[sflag:s25] =	ssyncadd.s32 $0xFFFFC000  }
0x56: {  	[hbm4b:s19+s2] =	stream.linear.scatter [tilespmem:s20], [sflag:$0xA], $0x4000, $0x38;
	[tilespmem:$0x1A400] =	vst v63  }
.Ltmp3:
0x57: {  	(pc) =	sbr.rel .LBB2_2-.Ltmp3, $4  }
0x58: {  	_ =	swait.ge [sflag:s31], $0x4000  }
0x59: {  	s4 =	sshra.s32 s0, $0x2;
	[sflag:s31] =	ssyncset.done $0x0  }
0x5a: {  	s0 =	sadd.s32 $0x2800, s0;
	s4 =	sadd.s32 $0x1200, s4;
	[sflag:s31] =	ssyncadd.s32 $0xFFFFC000  }
0x5b: {  	[tilespmem:s20], [sflag:$0x5] =	stream.indirect.gather [hbm4b:s3+s12], $0x20, s4, s12, $0xb8;
	[tilespmem:$0x1A400] =	vst v63  }
.LBB2_5:
0x5c: {  	_ =	sfence.sel $0x180000  }
0x5d: {  	[bflag:$0x0] =	sbarrier.arrive $0xFFFF  }
0x5e: {  	_ =	strace $0x90000047  }
0x5f: {  	s0 =	stileid.u32;
	[bflag:$0x2] =	sbarrier.arrive $0xFFFF  }
0x60: {  	p0 =	sne.s32 s0, $0x0;
	s0 =	rddreg [dreg:$0x2]  }
0x61: {  	s0 =	sadd.s32 @!p0 $0x100000, s0  }
0x62: {  	[sflag:s0] =	ssyncadd.tile.s32 @!p0 $0x1;
	_ =	shalt  }
.Lfunc_end2:
_tile_overlayer_lowered:
.L_overlay_start_2:
0x63: {  	(tag) =	ssettag $0x2  }
0x64: {  	s0 =	rddreg [dreg:$0x0];
	s2 =	stileid.u32  }
0x65: {  	s1 =	rddreg [dreg:$0x1];
	p0 =	sne.s32 s2, $0x0  }
0x66: {  	s3 =	rddreg [dreg:$0x2];
	[bflag:$0x3] =	sbarrier.arrive $0xFFFF;
	s2 =	simm.s32 @!p0 $0x1C0B  }
0x67: {  	[timem:s3], [sflag:s2] =	dma.local @!p0 [hbm:s0], s1  }
0x68: {  	s0 =	simm.s32 @!p0 $0xB  }
0x69: {  	_ =	swait.ge @!p0 [sflag:s0], s1  }
0x6a: {  	s1 =	ssub.s32 @!p0 $0x0, s1;
	[sflag:s0] =	ssyncset.done @!p0 $0x0  }
0x6b: {  	[sflag:s0] =	ssyncadd.s32 @!p0 s1  }
0x6c: {  	[bflag:$0x3] =	sbarrier.arrive $0xFFFF  }
0x6d: {  	_ =	shalt  }

// kernel: sparse-core-data-format-call.cloned.1.call-start
scs
called_computation_lowered:
.L_overlay_start_0:
0x0: {  	s2 =	sld [smem:$0x3FD9]  }
0x1: {  	s3 =	sld [smem:$0x3FFE];
	_ =	sdelay $0x1  }
0x2: {  	s1 =	srdreg.scid  }
0x3: {  	s0 =	sand.u32 $0x1, s1  }
0x4: {  	s18 =	sshll.u32 s0, $0xA;
	s2 =	sadd.s32 s3, s2  }
0x5: {  	s2 =	sadd.s32 s2, s18  }
0x6: {  	[smem:$0x3FC6] =	sst s2  }
0x7: {  	_ = 	snop  }
0x8: {  	s2 =	sld [smem:$0x3FD0];
	(tm) =	ssettm $0x1  }
0x9: {  	s19 =	sld [smem:$0x3FFB];
	_ =	sdelay $0x3  }
0xa: {  	_ =	strace s19  }
0xb: {  	s3 =	sld [smem:$0x3FFC];
	_ =	sdelay $0x3  }
0xc: {  	_ =	strace s3  }
0xd: {  	s3 =	sld [smem:$0x3FFD];
	_ =	sdelay $0x3  }
0xe: {  	_ =	strace s3  }
0xf: {  	_ =	strace $0x8FFFFFFF  }
0x10: {  	s20 =	sld [smem:$0x3FDB];
	_ =	sdelay $0x1  }
0x11: {  	s4 =	simm.s32 $_scs_section_size  }
0x12: {  	s5 =	simm.s32 $_size__tile_overlayer_lowered;
	s6 =	simm.s32 $_tile_overlayer_lowered  }
0x13: {  	s23 =	simm.s32 $0x1BFF;
	s22 =	sshll.u32 s6, $0x1;
	s3 =	sadd.s32 s4, s20  }
0x14: {  	s7 =	simm.s32 $0x0;
	s21 =	sshll.u32 s5, $0x1;
	s5 =	sadd.s32 s22, s3  }
0x15: {  	[timem:s7], [sflag:s23] =	dma.local [hbm:s5], s21  }
0x16: {  	_ =	swait.ge [sflag:s23], s21  }
0x17: {  	s4 =	ssub.s32 $0x0, s21;
	[sflag:s23] =	ssyncset.done $0x0  }
0x18: {  	[sflag:s23] =	ssyncadd.s32 s4;
	_ =	sdelay $0x1  }
0x19: {  	s24 =	simm.s32 $0x1B8B  }
0x1a: {  	_ =	swait.ge [sflag:s24], $0x1  }
0x1b: {  	[sflag:s24] =	ssyncset.done $0x0  }
0x1c: {  	s26 =	simm.s32 $0x1B8E;
	s25 =	sld [smem:$0x3FFE];
	[sflag:s24] =	ssyncadd.s32 $0xFFFFFFFF  }
0x1d: {  	s27 =	simm.s32 $execute0_lowered;
	[smem:$0x3FD2] =	sst s26  }
0x1e: {  	s5 =	sshll.u32 s27, $0x1;
	_ =	strace $0x80000049;
	[dreg:$0x1] =	wrdreg $0xFFFFFFFF  }
0x1f: {  	s28 =	simm.s32 $_size_execute0_lowered;
	s3 =	sadd.s32 s3, s5;
	[dreg:$0x0] =	wrdreg $0x0  }
0x20: {  	s5 =	sshll.u32 s28, $0x1;
	[dreg:$0x2] =	wrdreg s3  }
0x21: {  	[dreg:$0x3] =	wrdreg s5  }
0x22: {  	[dreg:$0x4] =	wrdreg $0xC0  }
0x23: {  	_ =	task [dreg:s7], $0x5FFFF  }
0x24: {  	[dreg:$0x1] =	wrdreg $0xFFFFFFFF  }
0x25: {  	[dreg:$0x0] =	wrdreg $0x60  }
0x26: {  	[dreg:$0x2] =	wrdreg s25  }
0x27: {  	[dreg:$0x3] =	wrdreg s2  }
0x28: {  	[dreg:$0x4] =	wrdreg $0x9  }
0x29: {  	_ =	task.clear_ibuf [dreg:s7], $0x5FFFF;
	_ =	strace $0x90000049  }
0x2a: {  	s29 =	simm.s32 $0x9;
	_ =	strace $0x8000004B  }
0x2b: {  	_ =	swait.ge [sflag:s29], $0x1  }
0x2c: {  	[sflag:s29] =	ssyncadd.s32 $0xFFFFFFFF  }
0x2d: {  	_ =	strace $0x9000004B  }
0x2e: {  	_ =	sfence  }
0x2f: {  	s30 =	sld [smem:$0x0];
	_ =	sdelay $0x2  }
0x30: {  	s31 =	sshll.u32 s1, $0xD;
	s1 =	sshrl.u32 s1, $0x2  }
0x31: {  	s3 =	sand.u32 $0x4000, s31;
	s1 =	sadd.s32 s1, s30  }
0x32: {  	s0 =	sor.u32 s3, s0;
	s1 =	sshll.u32 s1, $0x11  }
0x33: {  	s0 =	sor.u32 s1, s0  }
0x34: {  	s0 =	sadd.s32 $0x8F2B, s0  }
0x35: {  	[sflag:s0] =	ssyncadd.remote.s32 $0x1  }
0x36: {  	_ =	sfence.sel $0xFFFF  }
0x37: {  	[dreg:$0x0] =	wrdreg $0xFFFFFFFF;
	(pc) =	sbr.abs _section_cstart, $3  }
0x38: {  	[dreg:$0x1] =	wrdreg $0xFFFFFFFF  }
0x39: {  	_ =	task.clear_ibuf [dreg:s7], $0x2FFFF;
	_ =	strace $0x9FFFFFFF  }
0x3a: {  	(tm) =	ssettm $0x7FFFFFFF  }
0x3b: {  	_ =	shalt  }
tec
execute0_lowered:
.L_overlay_start_1:
0x0: {  	(tag) =	ssettag $0x1  }
0x1: {  	s0 =	srdreg.scid  }
0x2: {  	s1 =	sshll.u32 s0, $0x4  }
0x3: {  	s0 =	stileid.u32;
	s1 =	sand.u32 $0x10, s1  }
0x4: {  	s1 =	sor.u32 s0, s1  }
0x5: {  	s6 =	rddreg [dreg:$0x0];
	s4 =	simm.s32 $0x1;
	s2 =	sshll.u32 s1, $0x7  }
0x6: {  	s7 =	simm.s32 $0x2;
	s12 =	simm.s32 $0x0;
	s1 =	ssub.s32 $0x1000, s2  }
0x7: {  	s8 =	simm.s32 $0x8000;
	s13 =	simm.s32 $0x0;
	s3 =	sand.u32 $0xF80, s1  }
0x8: {  	s9 =	simm.s32 $0x0;
	s5 =	sshrl.u32 s1, $0xC;
	p0 =	sne.s32 s3, $0x0  }
.Ltmp0:
0x9: {  	s1 =	rddreg [dreg:$0x2];
	s4 =	simm.s32 @!p0 $0x0;
	(pc) =	sbr.rel .LBB1_1-.Ltmp0, $4  }
0xa: {  	s11 =	simm.s32 $0x0;
	s3 =	rddreg [dreg:$0x1];
	s5 =	sadd.s32 s4, s5  }
0xb: {  	_ =	strace $0x8000004A;
	s4 =	simm.s32 $0x1;
	s5 =	smul.u32 $0xC8, s5  }
0xc: {  	s6 =	sadd.s32 $0xA00, s6;
	s10 =	smov.u32 s2;
	[sflag:s4] =	ssyncpa.u1 $0x0  }
0xd: {  	p0 =	por $0x0, $0x0;
	[sflag:s7] =	ssyncpa.u1 $0x0;
	s7 =	sor.u32 $0x1, s5  }
.LBB1_4:
0xe: {  	s16 =	sshll.u32 s13, $0x3;
	s17 =	sand.u32 $0x78, s13  }
0xf: {  	s30 =	sand.u32 $0x3E00, s13;
	s12 =	sshll.u32 s12, $0xE;
	s16 =	sand.u32 $0xC00, s16  }
0x10: {  	s31 =	sand.u32 $0x7, s13;
	s16 =	sor.u32 s17, s16;
	s17 =	sadd.s32 s3, s30  }
0x11: {  	s13 =	sshll.u32 s31, $0x12;
	s16 =	sshrl.u32 s16, $0x3;
	s12 =	sadd.s32 s12, s17  }
0x12: {  	[tilespmem:s15+$0x0 ss:$0x81] =	vst.msk $0xffff, v0;
	s13 =	sor.u32 $0x400, s13;
	s12 =	sadd.s32 s16, s12  }
0x13: {  	[hbm4b:s12+s13] =	stream.strided.scatter [tilespmem:s14], [sflag:$0x2], $0x1000, s8, s13, $0x20;
	[tilespmem:$0x4040] =	vst v63  }
.LBB1_5:
0x14: {  	s14 =	sadd.s32 $0x1, s9  }
0x15: {  	s12 =	sadd.s32 $0x1000, s10;
	s16 =	smov.u32 s10;
	p2 =	sgt.s32 s14, $0xC7  }
0x16: {  	s16 =	smov.u32 @p2 s12  }
0x17: {  	s14 =	simm.s32 @p2 $0x0;
	p2 =	sgt.s32 s16, $0xFFF  }
0x18: {  	s16 =	smov.u32 @p2 s2;
	p2 =	sne.s32 s11, s7  }
.Ltmp1:
0x19: {  	p1 =	slt.u32 s11, $0x2;
	(pc) =	sbr.rel @!p2 .LBB1_6-.Ltmp1, $4  }
0x1a: {  	s15 =	simm.s32 @!p1 $0x2  }
0x1b: {  	s13 =	smov.u32 s10;
	p0 =	por !p0, !p0;
	_ =	swait.ge @!p1 [sflag:s15], $0x1000  }
0x1c: {  	s12 =	smov.u32 s9;
	[sflag:s15] =	ssyncset.done @!p1 $0x0;
	s9 =	smov.u32 s14  }
0x1d: {  	s11 =	sadd.s32 $0x1, s11;
	[sflag:s15] =	ssyncadd.s32 @!p1 $0xFFFFF000;
	s10 =	smov.u32 s16  }
.LBB1_1:
0x1e: {  	p1 =	sge.u32 s11, s5  }
0x1f: {  	s14 =	sand.u32 @!p1 $0x1FFFFFF, s9  }
0x20: {  	s15 =	smulhi.u32 @!p1 $0x147AE15, s14;
	_ =	sdelay $0x1  }
0x21: {  	s15 =	smul.u32 @!p1 $0xC8, s15  }
0x22: {  	s16 =	sxor.u32 @!p1 $0xFFFFFFFF, s11;
	s17 =	smul.u32 @!p1 $0xC80, s10  }
0x23: {  	s31 =	sadd.s32 $0xFFFFFFFF, s11;
	s16 =	sshll.u32 @!p1 s16, $0xC;
	s14 =	ssub.s32 @!p1 s14, s15  }
0x24: {  	s15 =	sand.u32 @!p1 $0x1000, s16;
	s16 =	sadd.s32 @!p1 s6, s17;
	s14 =	sshll.u32 @!p1 s14, $0x4  }
0x25: {  	s17 =	simm.s32 @!p1 $0x6400;
	s14 =	sadd.s32 @!p1 s14, s16;
	s16 =	simm.s32 @!p1 $0x20  }
0x26: {  	[tilespmem:s15], [sflag:$0x1] =	stream.strided.gather @!p1 [hbm4b:s14+s16], $0x1000, s17, s16, $0x38;
	[tilespmem:$0x4040] =	vst v63  }
0x27: {  	p1 =	sge.u32 s31, s5  }
.Ltmp2:
0x28: {  	_ = 	snop;
	(pc) =	sbr.rel @p1 .LBB1_5-.Ltmp2, $1  }
0x29: {  	_ =	sdelay $0x3  }
0x2a: {  	s14 =	simm.s32 $0x1  }
0x2b: {  	_ =	swait.ge [sflag:s4], $0x1000;
	s14 =	simm.s32 @!p0 $0x0  }
0x2c: {  	[sflag:s4] =	ssyncset.done $0x0;
	s15 =	sshll.u32 s14, $0xC  }
0x2d: {  	[sflag:s4] =	ssyncadd.s32 $0xFFFFF000;
	s18 =	sor.u32 $0x10, s15  }
0x2e: {  	s14 =	smul.u32 $0x4080, s14;
	v1 =	vld [tilespmem:s18+$0x0]  }
0x2f: {  	s30 =	sand.u32 $0x1, s11;
	v0 =	vld [tilespmem:s18+$0xFFFFFFF0]  }
0x30: {  	s15 =	smul.u32 $0x4080, s30;
	s14 =	sshrl.u32 s14, $0x2  }
0x31: {  	s16 =	sor.u32 $0x2000, s14  }
0x32: {  	s31 =	sshrl.u32 s15, $0x2;
	s15 =	sadd.s32 $0x0, s16  }
0x33: {  	s17 =	simm.s32 $0x4;
	s18 =	sadd.s32 $0x20, s18;
	s14 =	sor.u32 $0x2000, s31;
	[tilespmem:s15+$0x810 ss:$0x81] =	vst.msk $0xffff, v1  }
.LBB1_3:
0x34: {  	v1 =	vld [tilespmem:s18+$0x0];
	p1 =	sne.s32 s17, $0x1FC;
	[tilespmem:s15+$0x0 ss:$0x81] =	vst.msk $0xffff, v0;
	s15 =	smov.u32 s17;
	s17 =	sadd.s32 $0x4, s17  }
.Ltmp3:
0x35: {  	v0 =	vld [tilespmem:s18+$0xFFFFFFF0];
	(pc) =	sbr.rel @p1 .LBB1_3-.Ltmp3, $4  }
0x36: {  	_ = 	snop  }
0x37: {  	s15 =	sshra.s32 s15, $0x2  }
0x38: {  	s15 =	sadd.s32 s15, s16  }
0x39: {  	s18 =	sadd.s32 $0x20, s18;
	[tilespmem:s15+$0x810 ss:$0x81] =	vst.msk $0xffff, v1  }
.Ltmp4:
0x3a: {  	_ = 	snop;
	(pc) =	sbr.rel .LBB1_4-.Ltmp4, $1  }
0x3b: {  	_ =	sdelay $0x3  }
.LBB1_6:
0x3c: {  	_ =	sfence.sel $0x180000  }
0x3d: {  	s2 =	simm.s32 $0x1;
	[bflag:$0x0] =	sbarrier.arrive $0xFFFF  }
0x3e: {  	s31 =	simm.s32 $0x2;
	[sflag:s2] =	ssyncpa.u1 $0x1  }
0x3f: {  	[sflag:s31] =	ssyncpa.u1 $0x1  }
0x40: {  	p0 =	sne.s32 s0, $0x0;
	_ =	strace $0x9000004A  }
0x41: {  	s0 =	sadd.s32 @!p0 $0x100000, s1;
	[bflag:$0x2] =	sbarrier.arrive $0xFFFF  }
0x42: {  	[sflag:s0] =	ssyncadd.tile.s32 @!p0 $0x1;
	_ =	shalt  }
.Lfunc_end1:
_tile_overlayer_lowered:
.L_overlay_start_2:
0x43: {  	(tag) =	ssettag $0x2  }
0x44: {  	s0 =	rddreg [dreg:$0x0];
	s2 =	stileid.u32  }
0x45: {  	s1 =	rddreg [dreg:$0x1];
	p0 =	sne.s32 s2, $0x0  }
0x46: {  	s3 =	rddreg [dreg:$0x2];
	[bflag:$0x3] =	sbarrier.arrive $0xFFFF;
	s2 =	simm.s32 @!p0 $0x1C01  }
0x47: {  	[timem:s3], [sflag:s2] =	dma.local @!p0 [hbm:s0], s1  }
0x48: {  	s0 =	simm.s32 @!p0 $0x1  }
0x49: {  	_ =	swait.ge @!p0 [sflag:s0], s1  }
0x4a: {  	s1 =	ssub.s32 @!p0 $0x0, s1;
	[sflag:s0] =	ssyncset.done @!p0 $0x0  }
0x4b: {  	[sflag:s0] =	ssyncadd.s32 @!p0 s1  }
0x4c: {  	[bflag:$0x3] =	sbarrier.arrive $0xFFFF  }
0x4d: {  	_ =	shalt  }

</sc_bundles>
